<compile_context>
chip_gen: v7x
topology: tpu7x:2x2x1
jax: 0.10.2.dev20260603
libtpu: 0.0.44.dev20260713+nightly
codegen_flags: <defaults>
</compile_context>

<pallas_src>
import functools

import jax
import jax.numpy as jnp
from jax import lax
from jax.experimental import pallas as pl
from jax.experimental.pallas import tpu as pltpu
from jax.experimental.pallas import tpu_sc as plsc

N = 10000
E = 320000
D = 128
OUT = 16

NC = 2
NS = 16
NW = NC * NS
EPW = E // NW
CHUNK = 128
NCHUNK = 80
EPW_PAD = NCHUNK * CHUNK
NBATCH = NCHUNK // 8
NPAD = 10240
RPT = NPAD // NS


def _sc_segment_sum(h, src2, dst2, zeros):
    mesh = plsc.VectorSubcoreMesh(core_axis_name="c", subcore_axis_name="s")

    @functools.partial(
        pl.kernel,
        out_type=jax.ShapeDtypeStruct((NC, NPAD, D), jnp.float32),
        mesh=mesh,
        scratch_types=[
            pltpu.VMEM((NCHUNK, CHUNK), jnp.int32),
            pltpu.VMEM((2, 8, CHUNK), jnp.int32),
            pltpu.VMEM((CHUNK, D), jnp.float32),
            pltpu.VMEM((CHUNK, D), jnp.float32),
            pltpu.VMEM_SHARED((NPAD, D), jnp.float32),
            pltpu.SemaphoreType.DMA,
            pltpu.SemaphoreType.DMA,
            pltpu.SemaphoreType.DMA,
            pltpu.SemaphoreType.DMA,
            pltpu.SemaphoreType.DMA,
            pltpu.SemaphoreType.DMA,
        ],
    )
    def k(h_hbm, src_hbm, dst_hbm, z_hbm, out_hbm,
          src_v, dst_v, rows0, rows1, acc,
          semg0, semg1, sems0, sems1, semd0, semd1):
        c = lax.axis_index("c")
        s = lax.axis_index("s")
        wid = c * NS + s
        pltpu.sync_copy(src_hbm.at[wid], src_v)
        for kk in range(RPT // 128):
            pltpu.sync_copy(z_hbm, acc.at[pl.ds(s * RPT + kk * 128, 128)])
        plsc.subcore_barrier()

        def didx(j):
            return dst_v.at[(j // 8) % 2, j % 8]

        def wait_g(rows, sem):
            pltpu.make_async_copy(h_hbm.at[src_v.at[0]], rows, sem).wait()

        def wait_s(rows, sem):
            pltpu.make_async_copy(rows, acc.at[dst_v.at[0, 0]], sem).wait()

        def wait_d(sem):
            pltpu.make_async_copy(dst_hbm.at[wid, pl.ds(0, 8)],
                                  dst_v.at[0], sem).wait()

        pltpu.sync_copy(dst_hbm.at[wid, pl.ds(0, 8)], dst_v.at[0])
        pltpu.async_copy(dst_hbm.at[wid, pl.ds(8, 8)], dst_v.at[1], semd1)
        pltpu.async_copy(h_hbm.at[src_v.at[0]], rows0, semg0)
        pltpu.async_copy(h_hbm.at[src_v.at[1]], rows1, semg1)
        wait_g(rows0, semg0)
        pltpu.async_copy(rows0, acc.at[didx(0)], sems0, add=True)

        def body(g, carry):
            j0 = 2 * g + 1
            wait_s(rows0, sems0)
            pltpu.async_copy(h_hbm.at[src_v.at[j0 + 1]], rows0, semg0)
            wait_g(rows1, semg1)
            pltpu.async_copy(rows1, acc.at[didx(j0)], sems1, add=True)
            j1 = j0 + 1
            wait_s(rows1, sems1)
            pltpu.async_copy(h_hbm.at[src_v.at[j1 + 1]], rows1, semg1)

            @pl.when((j1 % 16) == 8)
            def _():
                t = j1 // 8
                wait_d(semd1)
                tn = jnp.minimum(t + 1, NBATCH - 1)
                pltpu.async_copy(dst_hbm.at[wid, pl.ds(tn * 8, 8)],
                                 dst_v.at[0], semd0)

            @pl.when((j1 % 16) == 0)
            def _():
                t = j1 // 8
                wait_d(semd0)
                tn = jnp.minimum(t + 1, NBATCH - 1)
                pltpu.async_copy(dst_hbm.at[wid, pl.ds(tn * 8, 8)],
                                 dst_v.at[1], semd1)

            wait_g(rows0, semg0)
            pltpu.async_copy(rows0, acc.at[didx(j1)], sems0, add=True)
            return carry

        lax.fori_loop(0, (NCHUNK - 2) // 2, body, 0)
        wait_g(rows1, semg1)
        wait_s(rows0, sems0)
        pltpu.async_copy(rows1, acc.at[didx(NCHUNK - 1)], sems1, add=True)
        wait_s(rows1, sems1)
        wait_d(semd0)
        plsc.subcore_barrier()
        pltpu.sync_copy(acc.at[pl.ds(s * RPT, RPT)],
                        out_hbm.at[c].at[pl.ds(s * RPT, RPT)])

    return k(h, src2, dst2, zeros)


BLK = 2000
NBLK = N // BLK


def _tc_combine(h, p):
    def body(h_ref, p0_ref, p1_ref, o_ref, acc_ref):
        ph = pl.program_id(0)
        blk = pl.program_id(1)

        @pl.when(ph == 0)
        def _():
            @pl.when(blk == 0)
            def _():
                acc_ref[...] = jnp.zeros_like(acc_ref)
            acc_ref[...] += jnp.sum(h_ref[...], axis=0, keepdims=True)

        @pl.when(ph == 1)
        def _():
            o_ref[...] = (2.0 * h_ref[...] + p0_ref[0] + p1_ref[0]
                          + acc_ref[...] * (1.0 / N))

    return pl.pallas_call(
        body,
        grid=(2, NBLK),
        in_specs=[
            pl.BlockSpec((BLK, D), lambda ph, b: (b, 0)),
            pl.BlockSpec((1, BLK, D), lambda ph, b: (0, b, 0)),
            pl.BlockSpec((1, BLK, D), lambda ph, b: (1, b, 0)),
        ],
        out_specs=pl.BlockSpec((BLK, D), lambda ph, b: (b, 0)),
        out_shape=jax.ShapeDtypeStruct((N, D), jnp.float32),
        scratch_shapes=[pltpu.VMEM((1, D), jnp.float32)],
    )(h, p, p)


def _tc_combine_predict(h, p, W, b):
    def body(h_ref, p0_ref, p1_ref, w_ref, b_ref, o_ref, acc_ref):
        ph = pl.program_id(0)
        blk = pl.program_id(1)

        @pl.when(ph == 0)
        def _():
            @pl.when(blk == 0)
            def _():
                acc_ref[...] = jnp.zeros_like(acc_ref)
            acc_ref[...] += jnp.sum(h_ref[...], axis=0, keepdims=True)

        @pl.when(ph == 1)
        def _():
            h2 = (2.0 * h_ref[...] + p0_ref[0] + p1_ref[0]
                  + acc_ref[...] * (1.0 / N))
            logits = jnp.dot(h2, w_ref[...],
                             preferred_element_type=jnp.float32) + b_ref[...]
            o_ref[...] = jax.nn.sigmoid(logits)

    return pl.pallas_call(
        body,
        grid=(2, NBLK),
        in_specs=[
            pl.BlockSpec((BLK, D), lambda ph, b_: (b_, 0)),
            pl.BlockSpec((1, BLK, D), lambda ph, b_: (0, b_, 0)),
            pl.BlockSpec((1, BLK, D), lambda ph, b_: (1, b_, 0)),
            pl.BlockSpec((D, OUT), lambda ph, b_: (0, 0)),
            pl.BlockSpec((1, OUT), lambda ph, b_: (0, 0)),
        ],
        out_specs=pl.BlockSpec((BLK, OUT), lambda ph, b_: (b_, 0)),
        out_shape=jax.ShapeDtypeStruct((N, OUT), jnp.float32),
        scratch_shapes=[pltpu.VMEM((1, D), jnp.float32)],
    )(h, p, p, W, b.reshape(1, OUT))


def kernel(x, edge_index, W_pred, b_pred):
    dst = edge_index[0]
    src = edge_index[1]
    src2 = jnp.pad(src.reshape(NW, EPW), ((0, 0), (0, EPW_PAD - EPW)))
    dst2 = jnp.pad(dst.reshape(NW, EPW), ((0, 0), (0, EPW_PAD - EPW)),
                   constant_values=N)
    src2 = src2.reshape(NW, NCHUNK, CHUNK)
    dst2 = dst2.reshape(NW, NCHUNK, CHUNK)
    zeros = jnp.zeros((128, D), jnp.float32)

    p1 = _sc_segment_sum(x, src2, dst2, zeros)
    h1 = _tc_combine(x, p1)
    p2 = _sc_segment_sum(h1, src2, dst2, zeros)
    return _tc_combine_predict(h1, p2, W_pred, b_pred)

# --- scband reference (transcript-rebuilt; emitter-appended) ---
"""Pipeline reference for scband-gnn-87935160418912 (READ-ONLY COPY).

The authoritative reference and input builder live on the scoring server;
editing this copy changes nothing except your own understanding.
"""

import jax, jax.numpy as jnp
import numpy as np

N = 10000
E = 320000
D = 128
OUT = 16
NUM_LAYERS = 2


def setup_inputs(seed: int = 0) -> dict:
    key = jax.random.key(seed)
    k1, k2, k3, k4 = jax.random.split(key, 4)
    x = jax.random.normal(k1, (N, D), dtype=jnp.float32)
    edge_index = jax.random.randint(k2, (2, E), 0, N, dtype=jnp.int32)
    # final node-prediction linear layer (linear_predictions[-1])
    W_pred = (jax.random.normal(k3, (D, OUT), dtype=jnp.float32) * (1.0 / np.sqrt(D))).astype(jnp.float32)
    b_pred = jnp.zeros((OUT,), dtype=jnp.float32)
    return {"x": x, "edge_index": edge_index, "W_pred": W_pred, "b_pred": b_pred}


def reference(x, edge_index, W_pred, b_pred):
    # ACR-GNN layer (aggregate / combine / readout), learn_eps=False so the
    # sparse adjacency includes self-loops (spmm(Adj+I, h) == segment_sum + h).
    # Adj_block sparse indices: row = edge_index[0] (dst), col = edge_index[1] (src).
    dst = edge_index[0]
    src = edge_index[1]
    h = x
    for layer in range(NUM_LAYERS):
        # aggregate_type='sum': pooled = spmm(Adj_block, h), Adj includes self-loops
        agg = jax.ops.segment_sum(jnp.take(h, src, axis=0), dst, num_segments=N) + h
        # readout_type='average': graph-level mean, broadcast back to nodes
        readout = jnp.mean(h, axis=0, keepdims=True)
        # combine_type='sum': x1 + x2 + expand(x3)
        h = h + agg + jnp.broadcast_to(readout, h.shape)
    # task='node', recursive_weighting=False: sigmoid(linear_predictions[-1](h))
    logits = jnp.dot(h, W_pred) + b_pred
    return jax.nn.sigmoid(logits)

if __name__ == "__main__":
    import jax
    _d = setup_inputs()
    print(jax.jit(kernel)(*tuple(_d.values())))

</pallas_src>

<mosaic_0001>
#map = affine_map<(d0, d1) -> (0, 0)>
#map1 = affine_map<(d0, d1) -> (0, 0, 0)>
module attributes {stable_mosaic.version = 14 : i64} {
  func.func @k(%arg0: i32, %arg1: i32, %arg2: memref<10000x128xf32, #tpu.memory_space<hbm>>, %arg3: memref<32x80x128xi32, #tpu.memory_space<hbm>>, %arg4: memref<32x80x128xi32, #tpu.memory_space<hbm>>, %arg5: memref<128x128xf32, #tpu.memory_space<hbm>>, %arg6: memref<2x10240x128xf32, #tpu.memory_space<hbm>>, %arg7: memref<80x128xi32, #tpu.memory_space<vmem>>, %arg8: memref<2x8x128xi32, #tpu.memory_space<vmem>>, %arg9: memref<128x128xf32, #tpu.memory_space<vmem>>, %arg10: memref<128x128xf32, #tpu.memory_space<vmem>>, %arg11: memref<10240x128xf32, #tpu.memory_space<vmem_shared>>, %arg12: memref<!tpu.dma_semaphore, #tpu.memory_space<semaphore_mem>>, %arg13: memref<!tpu.dma_semaphore, #tpu.memory_space<semaphore_mem>>, %arg14: memref<!tpu.dma_semaphore, #tpu.memory_space<semaphore_mem>>, %arg15: memref<!tpu.dma_semaphore, #tpu.memory_space<semaphore_mem>>, %arg16: memref<!tpu.dma_semaphore, #tpu.memory_space<semaphore_mem>>, %arg17: memref<!tpu.dma_semaphore, #tpu.memory_space<semaphore_mem>>) attributes {dimension_semantics = [#tpu.dimension_semantics<core_parallel>, #tpu.dimension_semantics<subcore_parallel>], iteration_bounds = array<i64: 2, 16>, scalar_prefetch = 0 : i64, scratch_operands = 11 : i64, tpu.core_type = #tpu.core_type<sc_vector_subcore>, window_params = [{transform_indices = #map}, {transform_indices = #map1}, {transform_indices = #map1}, {transform_indices = #map}, {transform_indices = #map1}]} {
    %mul3A = arith.constant 16 : i32
    %mul3A_0 = arith.muli %arg0, %mul3A : i32
    %add3A = arith.addi %mul3A_0, %arg1 : i32
    "tpu.region"() ({
      %run_scoped3A_123 = tpu.sem_alloc : memref<!tpu.dma_semaphore, #tpu.memory_space<semaphore_mem>>
      %dma_start3A_124 = arith.constant 0 : i32
      %dma_start3A_125 = arith.constant 0 : i32
      %dma_start3A_126 = tpu.memref_slice %arg3[%add3A, %dma_start3A_124, %dma_start3A_125] : memref<32x80x128xi32, #tpu.memory_space<hbm>> -> memref<1x80x128xi32, #tpu.memory_space<hbm>>
      %dma_start3A_127 = tpu.memref_squeeze %dma_start3A_126 : memref<1x80x128xi32, #tpu.memory_space<hbm>> -> memref<80x128xi32, #tpu.memory_space<hbm>>
      %dma_start3A_128 = arith.constant 0 : i32
      %dma_start3A_129 = arith.constant 0 : i32
      %dma_start3A_130 = tpu.memref_slice %arg3[%add3A, %dma_start3A_128, %dma_start3A_129] : memref<32x80x128xi32, #tpu.memory_space<hbm>> -> memref<1x80x128xi32, #tpu.memory_space<hbm>>
      %dma_start3A_131 = tpu.memref_squeeze %dma_start3A_130 : memref<1x80x128xi32, #tpu.memory_space<hbm>> -> memref<80x128xi32, #tpu.memory_space<hbm>>
      tpu.enqueue_dma source(%dma_start3A_131 : memref<80x128xi32, #tpu.memory_space<hbm>>) target(%arg7 : memref<80x128xi32, #tpu.memory_space<vmem>>) target_semaphore(%run_scoped3A_123 : memref<!tpu.dma_semaphore, #tpu.memory_space<semaphore_mem>>)
      %dma_wait3A_132 = arith.constant 0 : i32
      %dma_wait3A_133 = arith.constant 0 : i32
      %dma_wait3A_134 = tpu.memref_slice %arg3[%add3A, %dma_wait3A_132, %dma_wait3A_133] : memref<32x80x128xi32, #tpu.memory_space<hbm>> -> memref<1x80x128xi32, #tpu.memory_space<hbm>>
      %dma_wait3A_135 = tpu.memref_squeeze %dma_wait3A_134 : memref<1x80x128xi32, #tpu.memory_space<hbm>> -> memref<80x128xi32, #tpu.memory_space<hbm>>
      %dma_wait3A_136 = arith.constant 0 : i32
      %dma_wait3A_137 = arith.constant 0 : i32
      %dma_wait3A_138 = tpu.memref_slice %arg3[%add3A, %dma_wait3A_136, %dma_wait3A_137] : memref<32x80x128xi32, #tpu.memory_space<hbm>> -> memref<1x80x128xi32, #tpu.memory_space<hbm>>
      %dma_wait3A_139 = tpu.memref_squeeze %dma_wait3A_138 : memref<1x80x128xi32, #tpu.memory_space<hbm>> -> memref<80x128xi32, #tpu.memory_space<hbm>>
      tpu.wait_dma2 semaphore(%run_scoped3A_123 : memref<!tpu.dma_semaphore, #tpu.memory_space<semaphore_mem>>) src(%dma_wait3A_139 : memref<80x128xi32, #tpu.memory_space<hbm>>) dst(%arg7 : memref<80x128xi32, #tpu.memory_space<vmem>>)
      tpu.yield
    }) : () -> ()
    %mul3A_1 = arith.constant 640 : i32
    %mul3A_2 = arith.muli %arg1, %mul3A_1 : i32
    %add3A_3 = arith.constant 0 : i32
    %add3A_4 = arith.addi %mul3A_2, %add3A_3 : i32
    "tpu.region"() ({
      %run_scoped3A_123 = tpu.sem_alloc : memref<!tpu.dma_semaphore, #tpu.memory_space<semaphore_mem>>
      %dma_start3A_124 = arith.constant 0 : i32
      %dma_start3A_125 = tpu.memref_slice %arg11[%add3A_4, %dma_start3A_124] : memref<10240x128xf32, #tpu.memory_space<vmem_shared>> -> memref<128x128xf32, #tpu.memory_space<vmem_shared>>
      tpu.enqueue_dma source(%arg5 : memref<128x128xf32, #tpu.memory_space<hbm>>) target(%dma_start3A_125 : memref<128x128xf32, #tpu.memory_space<vmem_shared>>) target_semaphore(%run_scoped3A_123 : memref<!tpu.dma_semaphore, #tpu.memory_space<semaphore_mem>>)
      %dma_wait3A_126 = arith.constant 0 : i32
      %dma_wait3A_127 = tpu.memref_slice %arg11[%add3A_4, %dma_wait3A_126] : memref<10240x128xf32, #tpu.memory_space<vmem_shared>> -> memref<128x128xf32, #tpu.memory_space<vmem_shared>>
      tpu.wait_dma2 semaphore(%run_scoped3A_123 : memref<!tpu.dma_semaphore, #tpu.memory_space<semaphore_mem>>) src(%arg5 : memref<128x128xf32, #tpu.memory_space<hbm>>) dst(%dma_wait3A_127 : memref<128x128xf32, #tpu.memory_space<vmem_shared>>)
      tpu.yield
    }) : () -> ()
    %mul3A_5 = arith.constant 640 : i32
    %mul3A_6 = arith.muli %arg1, %mul3A_5 : i32
    %add3A_7 = arith.constant 128 : i32
    %add3A_8 = arith.addi %mul3A_6, %add3A_7 : i32
    "tpu.region"() ({
      %run_scoped3A_123 = tpu.sem_alloc : memref<!tpu.dma_semaphore, #tpu.memory_space<semaphore_mem>>
      %dma_start3A_124 = arith.constant 0 : i32
      %dma_start3A_125 = tpu.memref_slice %arg11[%add3A_8, %dma_start3A_124] : memref<10240x128xf32, #tpu.memory_space<vmem_shared>> -> memref<128x128xf32, #tpu.memory_space<vmem_shared>>
      tpu.enqueue_dma source(%arg5 : memref<128x128xf32, #tpu.memory_space<hbm>>) target(%dma_start3A_125 : memref<128x128xf32, #tpu.memory_space<vmem_shared>>) target_semaphore(%run_scoped3A_123 : memref<!tpu.dma_semaphore, #tpu.memory_space<semaphore_mem>>)
      %dma_wait3A_126 = arith.constant 0 : i32
      %dma_wait3A_127 = tpu.memref_slice %arg11[%add3A_8, %dma_wait3A_126] : memref<10240x128xf32, #tpu.memory_space<vmem_shared>> -> memref<128x128xf32, #tpu.memory_space<vmem_shared>>
      tpu.wait_dma2 semaphore(%run_scoped3A_123 : memref<!tpu.dma_semaphore, #tpu.memory_space<semaphore_mem>>) src(%arg5 : memref<128x128xf32, #tpu.memory_space<hbm>>) dst(%dma_wait3A_127 : memref<128x128xf32, #tpu.memory_space<vmem_shared>>)
      tpu.yield
    }) : () -> ()
    %mul3A_9 = arith.constant 640 : i32
    %mul3A_10 = arith.muli %arg1, %mul3A_9 : i32
    %add3A_11 = arith.constant 256 : i32
    %add3A_12 = arith.addi %mul3A_10, %add3A_11 : i32
    "tpu.region"() ({
      %run_scoped3A_123 = tpu.sem_alloc : memref<!tpu.dma_semaphore, #tpu.memory_space<semaphore_mem>>
      %dma_start3A_124 = arith.constant 0 : i32
      %dma_start3A_125 = tpu.memref_slice %arg11[%add3A_12, %dma_start3A_124] : memref<10240x128xf32, #tpu.memory_space<vmem_shared>> -> memref<128x128xf32, #tpu.memory_space<vmem_shared>>
      tpu.enqueue_dma source(%arg5 : memref<128x128xf32, #tpu.memory_space<hbm>>) target(%dma_start3A_125 : memref<128x128xf32, #tpu.memory_space<vmem_shared>>) target_semaphore(%run_scoped3A_123 : memref<!tpu.dma_semaphore, #tpu.memory_space<semaphore_mem>>)
      %dma_wait3A_126 = arith.constant 0 : i32
      %dma_wait3A_127 = tpu.memref_slice %arg11[%add3A_12, %dma_wait3A_126] : memref<10240x128xf32, #tpu.memory_space<vmem_shared>> -> memref<128x128xf32, #tpu.memory_space<vmem_shared>>
      tpu.wait_dma2 semaphore(%run_scoped3A_123 : memref<!tpu.dma_semaphore, #tpu.memory_space<semaphore_mem>>) src(%arg5 : memref<128x128xf32, #tpu.memory_space<hbm>>) dst(%dma_wait3A_127 : memref<128x128xf32, #tpu.memory_space<vmem_shared>>)
      tpu.yield
    }) : () -> ()
    %mul3A_13 = arith.constant 640 : i32
    %mul3A_14 = arith.muli %arg1, %mul3A_13 : i32
    %add3A_15 = arith.constant 384 : i32
    %add3A_16 = arith.addi %mul3A_14, %add3A_15 : i32
    "tpu.region"() ({
      %run_scoped3A_123 = tpu.sem_alloc : memref<!tpu.dma_semaphore, #tpu.memory_space<semaphore_mem>>
      %dma_start3A_124 = arith.constant 0 : i32
      %dma_start3A_125 = tpu.memref_slice %arg11[%add3A_16, %dma_start3A_124] : memref<10240x128xf32, #tpu.memory_space<vmem_shared>> -> memref<128x128xf32, #tpu.memory_space<vmem_shared>>
      tpu.enqueue_dma source(%arg5 : memref<128x128xf32, #tpu.memory_space<hbm>>) target(%dma_start3A_125 : memref<128x128xf32, #tpu.memory_space<vmem_shared>>) target_semaphore(%run_scoped3A_123 : memref<!tpu.dma_semaphore, #tpu.memory_space<semaphore_mem>>)
      %dma_wait3A_126 = arith.constant 0 : i32
      %dma_wait3A_127 = tpu.memref_slice %arg11[%add3A_16, %dma_wait3A_126] : memref<10240x128xf32, #tpu.memory_space<vmem_shared>> -> memref<128x128xf32, #tpu.memory_space<vmem_shared>>
      tpu.wait_dma2 semaphore(%run_scoped3A_123 : memref<!tpu.dma_semaphore, #tpu.memory_space<semaphore_mem>>) src(%arg5 : memref<128x128xf32, #tpu.memory_space<hbm>>) dst(%dma_wait3A_127 : memref<128x128xf32, #tpu.memory_space<vmem_shared>>)
      tpu.yield
    }) : () -> ()
    %mul3A_17 = arith.constant 640 : i32
    %mul3A_18 = arith.muli %arg1, %mul3A_17 : i32
    %add3A_19 = arith.constant 512 : i32
    %add3A_20 = arith.addi %mul3A_18, %add3A_19 : i32
    "tpu.region"() ({
      %run_scoped3A_123 = tpu.sem_alloc : memref<!tpu.dma_semaphore, #tpu.memory_space<semaphore_mem>>
      %dma_start3A_124 = arith.constant 0 : i32
      %dma_start3A_125 = tpu.memref_slice %arg11[%add3A_20, %dma_start3A_124] : memref<10240x128xf32, #tpu.memory_space<vmem_shared>> -> memref<128x128xf32, #tpu.memory_space<vmem_shared>>
      tpu.enqueue_dma source(%arg5 : memref<128x128xf32, #tpu.memory_space<hbm>>) target(%dma_start3A_125 : memref<128x128xf32, #tpu.memory_space<vmem_shared>>) target_semaphore(%run_scoped3A_123 : memref<!tpu.dma_semaphore, #tpu.memory_space<semaphore_mem>>)
      %dma_wait3A_126 = arith.constant 0 : i32
      %dma_wait3A_127 = tpu.memref_slice %arg11[%add3A_20, %dma_wait3A_126] : memref<10240x128xf32, #tpu.memory_space<vmem_shared>> -> memref<128x128xf32, #tpu.memory_space<vmem_shared>>
      tpu.wait_dma2 semaphore(%run_scoped3A_123 : memref<!tpu.dma_semaphore, #tpu.memory_space<semaphore_mem>>) src(%arg5 : memref<128x128xf32, #tpu.memory_space<hbm>>) dst(%dma_wait3A_127 : memref<128x128xf32, #tpu.memory_space<vmem_shared>>)
      tpu.yield
    }) : () -> ()
    %barrier3A = arith.constant 0 : index
    tpu.barrier barrier_id(%barrier3A)
    %run_scoped3A = arith.constant 0 : i32
    "tpu.region"() ({
      %run_scoped3A_123 = tpu.sem_alloc : memref<!tpu.dma_semaphore, #tpu.memory_space<semaphore_mem>>
      %dma_start3A_124 = arith.constant 0 : i32
      %dma_start3A_125 = arith.constant 0 : i32
      %dma_start3A_126 = tpu.memref_slice %arg8[%run_scoped3A, %dma_start3A_124, %dma_start3A_125] : memref<2x8x128xi32, #tpu.memory_space<vmem>> -> memref<1x8x128xi32, #tpu.memory_space<vmem>>
      %dma_start3A_127 = tpu.memref_squeeze %dma_start3A_126 : memref<1x8x128xi32, #tpu.memory_space<vmem>> -> memref<8x128xi32, #tpu.memory_space<vmem>>
      %dma_start3A_128 = arith.constant 0 : i32
      %dma_start3A_129 = arith.constant 0 : i32
      %dma_start3A_130 = tpu.memref_slice %arg4[%add3A, %dma_start3A_128, %dma_start3A_129] : memref<32x80x128xi32, #tpu.memory_space<hbm>> -> memref<1x8x128xi32, #tpu.memory_space<hbm>>
      %dma_start3A_131 = tpu.memref_squeeze %dma_start3A_130 : memref<1x8x128xi32, #tpu.memory_space<hbm>> -> memref<8x128xi32, #tpu.memory_space<hbm>>
      %dma_start3A_132 = arith.constant 0 : i32
      %dma_start3A_133 = arith.constant 0 : i32
      %dma_start3A_134 = tpu.memref_slice %arg8[%run_scoped3A, %dma_start3A_132, %dma_start3A_133] : memref<2x8x128xi32, #tpu.memory_space<vmem>> -> memref<1x8x128xi32, #tpu.memory_space<vmem>>
      %dma_start3A_135 = tpu.memref_squeeze %dma_start3A_134 : memref<1x8x128xi32, #tpu.memory_space<vmem>> -> memref<8x128xi32, #tpu.memory_space<vmem>>
      %dma_start3A_136 = arith.constant 0 : i32
      %dma_start3A_137 = arith.constant 0 : i32
      %dma_start3A_138 = tpu.memref_slice %arg4[%add3A, %dma_start3A_136, %dma_start3A_137] : memref<32x80x128xi32, #tpu.memory_space<hbm>> -> memref<1x8x128xi32, #tpu.memory_space<hbm>>
      %dma_start3A_139 = tpu.memref_squeeze %dma_start3A_138 : memref<1x8x128xi32, #tpu.memory_space<hbm>> -> memref<8x128xi32, #tpu.memory_space<hbm>>
      tpu.enqueue_dma source(%dma_start3A_139 : memref<8x128xi32, #tpu.memory_space<hbm>>) target(%dma_start3A_135 : memref<8x128xi32, #tpu.memory_space<vmem>>) target_semaphore(%run_scoped3A_123 : memref<!tpu.dma_semaphore, #tpu.memory_space<semaphore_mem>>)
      %dma_wait3A_140 = arith.constant 0 : i32
      %dma_wait3A_141 = arith.constant 0 : i32
      %dma_wait3A_142 = tpu.memref_slice %arg8[%run_scoped3A, %dma_wait3A_140, %dma_wait3A_141] : memref<2x8x128xi32, #tpu.memory_space<vmem>> -> memref<1x8x128xi32, #tpu.memory_space<vmem>>
      %dma_wait3A_143 = tpu.memref_squeeze %dma_wait3A_142 : memref<1x8x128xi32, #tpu.memory_space<vmem>> -> memref<8x128xi32, #tpu.memory_space<vmem>>
      %dma_wait3A_144 = arith.constant 0 : i32
      %dma_wait3A_145 = arith.constant 0 : i32
      %dma_wait3A_146 = tpu.memref_slice %arg4[%add3A, %dma_wait3A_144, %dma_wait3A_145] : memref<32x80x128xi32, #tpu.memory_space<hbm>> -> memref<1x8x128xi32, #tpu.memory_space<hbm>>
      %dma_wait3A_147 = tpu.memref_squeeze %dma_wait3A_146 : memref<1x8x128xi32, #tpu.memory_space<hbm>> -> memref<8x128xi32, #tpu.memory_space<hbm>>
      %dma_wait3A_148 = arith.constant 0 : i32
      %dma_wait3A_149 = arith.constant 0 : i32
      %dma_wait3A_150 = tpu.memref_slice %arg8[%run_scoped3A, %dma_wait3A_148, %dma_wait3A_149] : memref<2x8x128xi32, #tpu.memory_space<vmem>> -> memref<1x8x128xi32, #tpu.memory_space<vmem>>
      %dma_wait3A_151 = tpu.memref_squeeze %dma_wait3A_150 : memref<1x8x128xi32, #tpu.memory_space<vmem>> -> memref<8x128xi32, #tpu.memory_space<vmem>>
      %dma_wait3A_152 = arith.constant 0 : i32
      %dma_wait3A_153 = arith.constant 0 : i32
      %dma_wait3A_154 = tpu.memref_slice %arg4[%add3A, %dma_wait3A_152, %dma_wait3A_153] : memref<32x80x128xi32, #tpu.memory_space<hbm>> -> memref<1x8x128xi32, #tpu.memory_space<hbm>>
      %dma_wait3A_155 = tpu.memref_squeeze %dma_wait3A_154 : memref<1x8x128xi32, #tpu.memory_space<hbm>> -> memref<8x128xi32, #tpu.memory_space<hbm>>
      tpu.wait_dma2 semaphore(%run_scoped3A_123 : memref<!tpu.dma_semaphore, #tpu.memory_space<semaphore_mem>>) src(%dma_wait3A_155 : memref<8x128xi32, #tpu.memory_space<hbm>>) dst(%dma_wait3A_151 : memref<8x128xi32, #tpu.memory_space<vmem>>)
      tpu.yield
    }) : () -> ()
    %dma_start3A = arith.constant 1 : i32
    %dma_start3A_21 = arith.constant 0 : i32
    %dma_start3A_22 = arith.constant 0 : i32
    %dma_start3A_23 = tpu.memref_slice %arg8[%dma_start3A, %dma_start3A_21, %dma_start3A_22] : memref<2x8x128xi32, #tpu.memory_space<vmem>> -> memref<1x8x128xi32, #tpu.memory_space<vmem>>
    %dma_start3A_24 = tpu.memref_squeeze %dma_start3A_23 : memref<1x8x128xi32, #tpu.memory_space<vmem>> -> memref<8x128xi32, #tpu.memory_space<vmem>>
    %dma_start3A_25 = arith.constant 8 : i32
    %dma_start3A_26 = arith.constant 0 : i32
    %dma_start3A_27 = tpu.memref_slice %arg4[%add3A, %dma_start3A_25, %dma_start3A_26] : memref<32x80x128xi32, #tpu.memory_space<hbm>> -> memref<1x8x128xi32, #tpu.memory_space<hbm>>
    %dma_start3A_28 = tpu.memref_squeeze %dma_start3A_27 : memref<1x8x128xi32, #tpu.memory_space<hbm>> -> memref<8x128xi32, #tpu.memory_space<hbm>>
    %dma_start3A_29 = arith.constant 0 : i32
    %dma_start3A_30 = arith.constant 0 : i32
    %dma_start3A_31 = tpu.memref_slice %arg8[%dma_start3A, %dma_start3A_29, %dma_start3A_30] : memref<2x8x128xi32, #tpu.memory_space<vmem>> -> memref<1x8x128xi32, #tpu.memory_space<vmem>>
    %dma_start3A_32 = tpu.memref_squeeze %dma_start3A_31 : memref<1x8x128xi32, #tpu.memory_space<vmem>> -> memref<8x128xi32, #tpu.memory_space<vmem>>
    %dma_start3A_33 = arith.constant 8 : i32
    %dma_start3A_34 = arith.constant 0 : i32
    %dma_start3A_35 = tpu.memref_slice %arg4[%add3A, %dma_start3A_33, %dma_start3A_34] : memref<32x80x128xi32, #tpu.memory_space<hbm>> -> memref<1x8x128xi32, #tpu.memory_space<hbm>>
    %dma_start3A_36 = tpu.memref_squeeze %dma_start3A_35 : memref<1x8x128xi32, #tpu.memory_space<hbm>> -> memref<8x128xi32, #tpu.memory_space<hbm>>
    tpu.enqueue_dma source(%dma_start3A_36 : memref<8x128xi32, #tpu.memory_space<hbm>>) target(%dma_start3A_32 : memref<8x128xi32, #tpu.memory_space<vmem>>) target_semaphore(%arg17 : memref<!tpu.dma_semaphore, #tpu.memory_space<semaphore_mem>>)
    %dma_start3A_37 = arith.constant 0 : i32
    %dma_start3A_38 = arith.constant 0 : i32
    %dma_start3A_39 = tpu.memref_slice %arg7[%dma_start3A_37, %dma_start3A_38] : memref<80x128xi32, #tpu.memory_space<vmem>> -> memref<1x128xi32, #tpu.memory_space<vmem>>
    %dma_start3A_40 = tpu.memref_squeeze %dma_start3A_39 : memref<1x128xi32, #tpu.memory_space<vmem>> -> memref<128xi32, #tpu.memory_space<vmem>>
    %dma_start3A_41 = arith.constant 0 : i32
    %dma_start3A_42 = arith.constant 0 : i32
    %dma_start3A_43 = tpu.memref_slice %arg2[%dma_start3A_41, %dma_start3A_42] : memref<10000x128xf32, #tpu.memory_space<hbm>> -> memref<10000x128xf32, #tpu.memory_space<hbm>>
    tpu.enqueue_indirect_dma source(%dma_start3A_43 : memref<10000x128xf32, #tpu.memory_space<hbm>>) target(%arg9 : memref<128x128xf32, #tpu.memory_space<vmem>>) offsets(%dma_start3A_40 : memref<128xi32, #tpu.memory_space<vmem>>) semaphore(%arg12 : memref<!tpu.dma_semaphore, #tpu.memory_space<semaphore_mem>>)
    %dma_start3A_44 = arith.constant 1 : i32
    %dma_start3A_45 = arith.constant 0 : i32
    %dma_start3A_46 = tpu.memref_slice %arg7[%dma_start3A_44, %dma_start3A_45] : memref<80x128xi32, #tpu.memory_space<vmem>> -> memref<1x128xi32, #tpu.memory_space<vmem>>
    %dma_start3A_47 = tpu.memref_squeeze %dma_start3A_46 : memref<1x128xi32, #tpu.memory_space<vmem>> -> memref<128xi32, #tpu.memory_space<vmem>>
    %dma_start3A_48 = arith.constant 0 : i32
    %dma_start3A_49 = arith.constant 0 : i32
    %dma_start3A_50 = tpu.memref_slice %arg2[%dma_start3A_48, %dma_start3A_49] : memref<10000x128xf32, #tpu.memory_space<hbm>> -> memref<10000x128xf32, #tpu.memory_space<hbm>>
    tpu.enqueue_indirect_dma source(%dma_start3A_50 : memref<10000x128xf32, #tpu.memory_space<hbm>>) target(%arg10 : memref<128x128xf32, #tpu.memory_space<vmem>>) offsets(%dma_start3A_47 : memref<128xi32, #tpu.memory_space<vmem>>) semaphore(%arg13 : memref<!tpu.dma_semaphore, #tpu.memory_space<semaphore_mem>>)
    %dma_wait3A = arith.constant 0 : i32
    %dma_wait3A_51 = arith.constant 0 : i32
    %dma_wait3A_52 = tpu.memref_slice %arg7[%dma_wait3A, %dma_wait3A_51] : memref<80x128xi32, #tpu.memory_space<vmem>> -> memref<1x128xi32, #tpu.memory_space<vmem>>
    %dma_wait3A_53 = tpu.memref_squeeze %dma_wait3A_52 : memref<1x128xi32, #tpu.memory_space<vmem>> -> memref<128xi32, #tpu.memory_space<vmem>>
    %dma_wait3A_54 = arith.constant 0 : i32
    %dma_wait3A_55 = arith.constant 0 : i32
    %dma_wait3A_56 = tpu.memref_slice %arg2[%dma_wait3A_54, %dma_wait3A_55] : memref<10000x128xf32, #tpu.memory_space<hbm>> -> memref<10000x128xf32, #tpu.memory_space<hbm>>
    tpu.wait_indirect_dma semaphore(%arg12 : memref<!tpu.dma_semaphore, #tpu.memory_space<semaphore_mem>>) src(%dma_wait3A_56 : memref<10000x128xf32, #tpu.memory_space<hbm>>) dst(%arg9 : memref<128x128xf32, #tpu.memory_space<vmem>>)
    %dma_start3A_57 = arith.constant 0 : i32
    %dma_start3A_58 = arith.constant 0 : i32
    %dma_start3A_59 = arith.constant 0 : i32
    %dma_start3A_60 = tpu.memref_slice %arg8[%dma_start3A_57, %dma_start3A_58, %dma_start3A_59] : memref<2x8x128xi32, #tpu.memory_space<vmem>> -> memref<1x1x128xi32, #tpu.memory_space<vmem>>
    %dma_start3A_61 = tpu.memref_squeeze %dma_start3A_60 : memref<1x1x128xi32, #tpu.memory_space<vmem>> -> memref<128xi32, #tpu.memory_space<vmem>>
    %dma_start3A_62 = arith.constant 0 : i32
    %dma_start3A_63 = arith.constant 0 : i32
    %dma_start3A_64 = tpu.memref_slice %arg11[%dma_start3A_62, %dma_start3A_63] : memref<10240x128xf32, #tpu.memory_space<vmem_shared>> -> memref<10240x128xf32, #tpu.memory_space<vmem_shared>>
    tpu.enqueue_indirect_dma source(%arg9 : memref<128x128xf32, #tpu.memory_space<vmem>>) target(%dma_start3A_64 : memref<10240x128xf32, #tpu.memory_space<vmem_shared>>) offsets(%dma_start3A_61 : memref<128xi32, #tpu.memory_space<vmem>>) semaphore(%arg14 : memref<!tpu.dma_semaphore, #tpu.memory_space<semaphore_mem>>) {add = true}
    %scan3A = arith.constant 0 : i32
    %scan3A_65 = arith.constant 0 : i32
    %scan3A_66 = arith.constant 39 : i32
    %scan3A_67 = arith.addi %scan3A_65, %scan3A_66 : i32
    %scan3A_68 = arith.constant 1 : i32
    scf.for %scan3A_123 = %scan3A_65 to %scan3A_67 step %scan3A_68  : i32 {
      %mul3A_124 = arith.constant 2 : i32
      %mul3A_125 = arith.muli %mul3A_124, %scan3A_123 : i32
      %add3A_126 = arith.constant 1 : i32
      %add3A_127 = arith.addi %mul3A_125, %add3A_126 : i32
      %dma_wait3A_128 = arith.constant 0 : i32
      %dma_wait3A_129 = arith.constant 0 : i32
      %dma_wait3A_130 = arith.constant 0 : i32
      %dma_wait3A_131 = tpu.memref_slice %arg8[%dma_wait3A_128, %dma_wait3A_129, %dma_wait3A_130] : memref<2x8x128xi32, #tpu.memory_space<vmem>> -> memref<1x1x128xi32, #tpu.memory_space<vmem>>
      %dma_wait3A_132 = tpu.memref_squeeze %dma_wait3A_131 : memref<1x1x128xi32, #tpu.memory_space<vmem>> -> memref<128xi32, #tpu.memory_space<vmem>>
      %dma_wait3A_133 = arith.constant 0 : i32
      %dma_wait3A_134 = arith.constant 0 : i32
      %dma_wait3A_135 = tpu.memref_slice %arg11[%dma_wait3A_133, %dma_wait3A_134] : memref<10240x128xf32, #tpu.memory_space<vmem_shared>> -> memref<10240x128xf32, #tpu.memory_space<vmem_shared>>
      tpu.wait_indirect_dma semaphore(%arg14 : memref<!tpu.dma_semaphore, #tpu.memory_space<semaphore_mem>>) src(%arg9 : memref<128x128xf32, #tpu.memory_space<vmem>>) dst(%dma_wait3A_135 : memref<10240x128xf32, #tpu.memory_space<vmem_shared>>)
      %add3A_136 = arith.constant 1 : i32
      %add3A_137 = arith.addi %add3A_127, %add3A_136 : i32
      %dma_start3A_138 = arith.constant 0 : i32
      %dma_start3A_139 = tpu.memref_slice %arg7[%add3A_137, %dma_start3A_138] : memref<80x128xi32, #tpu.memory_space<vmem>> -> memref<1x128xi32, #tpu.memory_space<vmem>>
      %dma_start3A_140 = tpu.memref_squeeze %dma_start3A_139 : memref<1x128xi32, #tpu.memory_space<vmem>> -> memref<128xi32, #tpu.memory_space<vmem>>
      %dma_start3A_141 = arith.constant 0 : i32
      %dma_start3A_142 = arith.constant 0 : i32
      %dma_start3A_143 = tpu.memref_slice %arg2[%dma_start3A_141, %dma_start3A_142] : memref<10000x128xf32, #tpu.memory_space<hbm>> -> memref<10000x128xf32, #tpu.memory_space<hbm>>
      tpu.enqueue_indirect_dma source(%dma_start3A_143 : memref<10000x128xf32, #tpu.memory_space<hbm>>) target(%arg9 : memref<128x128xf32, #tpu.memory_space<vmem>>) offsets(%dma_start3A_140 : memref<128xi32, #tpu.memory_space<vmem>>) semaphore(%arg12 : memref<!tpu.dma_semaphore, #tpu.memory_space<semaphore_mem>>)
      %dma_wait3A_144 = arith.constant 0 : i32
      %dma_wait3A_145 = arith.constant 0 : i32
      %dma_wait3A_146 = tpu.memref_slice %arg7[%dma_wait3A_144, %dma_wait3A_145] : memref<80x128xi32, #tpu.memory_space<vmem>> -> memref<1x128xi32, #tpu.memory_space<vmem>>
      %dma_wait3A_147 = tpu.memref_squeeze %dma_wait3A_146 : memref<1x128xi32, #tpu.memory_space<vmem>> -> memref<128xi32, #tpu.memory_space<vmem>>
      %dma_wait3A_148 = arith.constant 0 : i32
      %dma_wait3A_149 = arith.constant 0 : i32
      %dma_wait3A_150 = tpu.memref_slice %arg2[%dma_wait3A_148, %dma_wait3A_149] : memref<10000x128xf32, #tpu.memory_space<hbm>> -> memref<10000x128xf32, #tpu.memory_space<hbm>>
      tpu.wait_indirect_dma semaphore(%arg13 : memref<!tpu.dma_semaphore, #tpu.memory_space<semaphore_mem>>) src(%dma_wait3A_150 : memref<10000x128xf32, #tpu.memory_space<hbm>>) dst(%arg10 : memref<128x128xf32, #tpu.memory_space<vmem>>)
      %jit3A = arith.constant 8 : i32
      %div3A = arith.divsi %add3A_127, %jit3A : i32
      %sign3A = arith.constant 0 : i32
      %sign3A_151 = arith.cmpi sgt, %add3A_127, %sign3A : i32
      %sign3A_152 = arith.extui %sign3A_151 : i1 to i32
      %sign3A_153 = arith.constant 0 : i32
      %sign3A_154 = arith.cmpi slt, %add3A_127, %sign3A_153 : i32
      %sign3A_155 = arith.extui %sign3A_154 : i1 to i32
      %sign3A_156 = arith.subi %sign3A_152, %sign3A_155 : i32
      %sign3A_157 = arith.constant 0 : i32
      %sign3A_158 = arith.cmpi sgt, %jit3A, %sign3A_157 : i32
      %sign3A_159 = arith.extui %sign3A_158 : i1 to i32
      %sign3A_160 = arith.constant 0 : i32
      %sign3A_161 = arith.cmpi slt, %jit3A, %sign3A_160 : i32
      %sign3A_162 = arith.extui %sign3A_161 : i1 to i32
      %sign3A_163 = arith.subi %sign3A_159, %sign3A_162 : i32
      %ne3A = arith.cmpi ne, %sign3A_156, %sign3A_163 : i32
      %rem3A = arith.remsi %add3A_127, %jit3A : i32
      %ne3A_164 = arith.constant 0 : i32
      %ne3A_165 = arith.cmpi ne, %rem3A, %ne3A_164 : i32
      %and3A = arith.andi %ne3A, %ne3A_165 : i1
      %sub3A = arith.constant 1 : i32
      %sub3A_166 = arith.subi %div3A, %sub3A : i32
      %select_n3A = arith.select %and3A, %sub3A_166, %div3A : i32
      %jit3A_167 = arith.constant 2 : i32
      %eq3A = arith.constant 0 : i32
      %eq3A_168 = arith.cmpi eq, %jit3A_167, %eq3A : i32
      %jit3A_169 = arith.constant 1 : i32
      %select_n3A_170 = arith.select %eq3A_168, %jit3A_169, %jit3A_167 : i32
      %rem3A_171 = arith.remsi %select_n3A, %select_n3A_170 : i32
      %ne3A_172 = arith.constant 0 : i32
      %ne3A_173 = arith.cmpi ne, %rem3A_171, %ne3A_172 : i32
      %lt3A = arith.constant 0 : i32
      %lt3A_174 = arith.cmpi slt, %rem3A_171, %lt3A : i32
      %lt3A_175 = arith.constant 0 : i32
      %lt3A_176 = arith.cmpi slt, %select_n3A_170, %lt3A_175 : i32
      %ne3A_177 = arith.xori %lt3A_174, %lt3A_176 : i1
      %and3A_178 = arith.andi %ne3A_177, %ne3A_173 : i1
      %add3A_179 = arith.addi %rem3A_171, %select_n3A_170 : i32
      %select_n3A_180 = arith.select %and3A_178, %add3A_179, %rem3A_171 : i32
      %jit3A_181 = arith.constant 8 : i32
      %eq3A_182 = arith.constant 0 : i32
      %eq3A_183 = arith.cmpi eq, %jit3A_181, %eq3A_182 : i32
      %jit3A_184 = arith.constant 1 : i32
      %select_n3A_185 = arith.select %eq3A_183, %jit3A_184, %jit3A_181 : i32
      %rem3A_186 = arith.remsi %add3A_127, %select_n3A_185 : i32
      %ne3A_187 = arith.constant 0 : i32
      %ne3A_188 = arith.cmpi ne, %rem3A_186, %ne3A_187 : i32
      %lt3A_189 = arith.constant 0 : i32
      %lt3A_190 = arith.cmpi slt, %rem3A_186, %lt3A_189 : i32
      %lt3A_191 = arith.constant 0 : i32
      %lt3A_192 = arith.cmpi slt, %select_n3A_185, %lt3A_191 : i32
      %ne3A_193 = arith.xori %lt3A_190, %lt3A_192 : i1
      %and3A_194 = arith.andi %ne3A_193, %ne3A_188 : i1
      %add3A_195 = arith.addi %rem3A_186, %select_n3A_185 : i32
      %select_n3A_196 = arith.select %and3A_194, %add3A_195, %rem3A_186 : i32
      %dma_start3A_197 = arith.constant 0 : i32
      %dma_start3A_198 = tpu.memref_slice %arg8[%select_n3A_180, %select_n3A_196, %dma_start3A_197] : memref<2x8x128xi32, #tpu.memory_space<vmem>> -> memref<1x1x128xi32, #tpu.memory_space<vmem>>
      %dma_start3A_199 = tpu.memref_squeeze %dma_start3A_198 : memref<1x1x128xi32, #tpu.memory_space<vmem>> -> memref<128xi32, #tpu.memory_space<vmem>>
      %dma_start3A_200 = arith.constant 0 : i32
      %dma_start3A_201 = arith.constant 0 : i32
      %dma_start3A_202 = tpu.memref_slice %arg11[%dma_start3A_200, %dma_start3A_201] : memref<10240x128xf32, #tpu.memory_space<vmem_shared>> -> memref<10240x128xf32, #tpu.memory_space<vmem_shared>>
      tpu.enqueue_indirect_dma source(%arg10 : memref<128x128xf32, #tpu.memory_space<vmem>>) target(%dma_start3A_202 : memref<10240x128xf32, #tpu.memory_space<vmem_shared>>) offsets(%dma_start3A_199 : memref<128xi32, #tpu.memory_space<vmem>>) semaphore(%arg15 : memref<!tpu.dma_semaphore, #tpu.memory_space<semaphore_mem>>) {add = true}
      %add3A_203 = arith.constant 1 : i32
      %add3A_204 = arith.addi %add3A_127, %add3A_203 : i32
      %dma_wait3A_205 = arith.constant 0 : i32
      %dma_wait3A_206 = arith.constant 0 : i32
      %dma_wait3A_207 = arith.constant 0 : i32
      %dma_wait3A_208 = tpu.memref_slice %arg8[%dma_wait3A_205, %dma_wait3A_206, %dma_wait3A_207] : memref<2x8x128xi32, #tpu.memory_space<vmem>> -> memref<1x1x128xi32, #tpu.memory_space<vmem>>
      %dma_wait3A_209 = tpu.memref_squeeze %dma_wait3A_208 : memref<1x1x128xi32, #tpu.memory_space<vmem>> -> memref<128xi32, #tpu.memory_space<vmem>>
      %dma_wait3A_210 = arith.constant 0 : i32
      %dma_wait3A_211 = arith.constant 0 : i32
      %dma_wait3A_212 = tpu.memref_slice %arg11[%dma_wait3A_210, %dma_wait3A_211] : memref<10240x128xf32, #tpu.memory_space<vmem_shared>> -> memref<10240x128xf32, #tpu.memory_space<vmem_shared>>
      tpu.wait_indirect_dma semaphore(%arg15 : memref<!tpu.dma_semaphore, #tpu.memory_space<semaphore_mem>>) src(%arg10 : memref<128x128xf32, #tpu.memory_space<vmem>>) dst(%dma_wait3A_212 : memref<10240x128xf32, #tpu.memory_space<vmem_shared>>)
      %add3A_213 = arith.constant 1 : i32
      %add3A_214 = arith.addi %add3A_204, %add3A_213 : i32
      %dma_start3A_215 = arith.constant 0 : i32
      %dma_start3A_216 = tpu.memref_slice %arg7[%add3A_214, %dma_start3A_215] : memref<80x128xi32, #tpu.memory_space<vmem>> -> memref<1x128xi32, #tpu.memory_space<vmem>>
      %dma_start3A_217 = tpu.memref_squeeze %dma_start3A_216 : memref<1x128xi32, #tpu.memory_space<vmem>> -> memref<128xi32, #tpu.memory_space<vmem>>
      %dma_start3A_218 = arith.constant 0 : i32
      %dma_start3A_219 = arith.constant 0 : i32
      %dma_start3A_220 = tpu.memref_slice %arg2[%dma_start3A_218, %dma_start3A_219] : memref<10000x128xf32, #tpu.memory_space<hbm>> -> memref<10000x128xf32, #tpu.memory_space<hbm>>
      tpu.enqueue_indirect_dma source(%dma_start3A_220 : memref<10000x128xf32, #tpu.memory_space<hbm>>) target(%arg10 : memref<128x128xf32, #tpu.memory_space<vmem>>) offsets(%dma_start3A_217 : memref<128xi32, #tpu.memory_space<vmem>>) semaphore(%arg13 : memref<!tpu.dma_semaphore, #tpu.memory_space<semaphore_mem>>)
      %jit3A_221 = arith.constant 16 : i32
      %eq3A_222 = arith.constant 0 : i32
      %eq3A_223 = arith.cmpi eq, %jit3A_221, %eq3A_222 : i32
      %jit3A_224 = arith.constant 1 : i32
      %select_n3A_225 = arith.select %eq3A_223, %jit3A_224, %jit3A_221 : i32
      %rem3A_226 = arith.remsi %add3A_204, %select_n3A_225 : i32
      %ne3A_227 = arith.constant 0 : i32
      %ne3A_228 = arith.cmpi ne, %rem3A_226, %ne3A_227 : i32
      %lt3A_229 = arith.constant 0 : i32
      %lt3A_230 = arith.cmpi slt, %rem3A_226, %lt3A_229 : i32
      %lt3A_231 = arith.constant 0 : i32
      %lt3A_232 = arith.cmpi slt, %select_n3A_225, %lt3A_231 : i32
      %ne3A_233 = arith.xori %lt3A_230, %lt3A_232 : i1
      %and3A_234 = arith.andi %ne3A_233, %ne3A_228 : i1
      %add3A_235 = arith.addi %rem3A_226, %select_n3A_225 : i32
      %select_n3A_236 = arith.select %and3A_234, %add3A_235, %rem3A_226 : i32
      %eq3A_237 = arith.constant 8 : i32
      %eq3A_238 = arith.cmpi eq, %select_n3A_236, %eq3A_237 : i32
      %convert_element_type3A = arith.extui %eq3A_238 : i1 to i32
      %cond3A = arith.constant 0 : i32
      %cond3A_239 = arith.cmpi ne, %convert_element_type3A, %cond3A : i32
      scf.if %cond3A_239 {
        %jit3A_330 = arith.constant 8 : i32
        %div3A_331 = arith.divsi %add3A_204, %jit3A_330 : i32
        %sign3A_332 = arith.constant 0 : i32
        %sign3A_333 = arith.cmpi sgt, %add3A_204, %sign3A_332 : i32
        %sign3A_334 = arith.extui %sign3A_333 : i1 to i32
        %sign3A_335 = arith.constant 0 : i32
        %sign3A_336 = arith.cmpi slt, %add3A_204, %sign3A_335 : i32
        %sign3A_337 = arith.extui %sign3A_336 : i1 to i32
        %sign3A_338 = arith.subi %sign3A_334, %sign3A_337 : i32
        %sign3A_339 = arith.constant 0 : i32
        %sign3A_340 = arith.cmpi sgt, %jit3A_330, %sign3A_339 : i32
        %sign3A_341 = arith.extui %sign3A_340 : i1 to i32
        %sign3A_342 = arith.constant 0 : i32
        %sign3A_343 = arith.cmpi slt, %jit3A_330, %sign3A_342 : i32
        %sign3A_344 = arith.extui %sign3A_343 : i1 to i32
        %sign3A_345 = arith.subi %sign3A_341, %sign3A_344 : i32
        %ne3A_346 = arith.cmpi ne, %sign3A_338, %sign3A_345 : i32
        %rem3A_347 = arith.remsi %add3A_204, %jit3A_330 : i32
        %ne3A_348 = arith.constant 0 : i32
        %ne3A_349 = arith.cmpi ne, %rem3A_347, %ne3A_348 : i32
        %and3A_350 = arith.andi %ne3A_346, %ne3A_349 : i1
        %sub3A_351 = arith.constant 1 : i32
        %sub3A_352 = arith.subi %div3A_331, %sub3A_351 : i32
        %select_n3A_353 = arith.select %and3A_350, %sub3A_352, %div3A_331 : i32
        %dma_wait3A_354 = arith.constant 0 : i32
        %dma_wait3A_355 = arith.constant 0 : i32
        %dma_wait3A_356 = arith.constant 0 : i32
        %dma_wait3A_357 = tpu.memref_slice %arg8[%dma_wait3A_354, %dma_wait3A_355, %dma_wait3A_356] : memref<2x8x128xi32, #tpu.memory_space<vmem>> -> memref<1x8x128xi32, #tpu.memory_space<vmem>>
        %dma_wait3A_358 = tpu.memref_squeeze %dma_wait3A_357 : memref<1x8x128xi32, #tpu.memory_space<vmem>> -> memref<8x128xi32, #tpu.memory_space<vmem>>
        %dma_wait3A_359 = arith.constant 0 : i32
        %dma_wait3A_360 = arith.constant 0 : i32
        %dma_wait3A_361 = tpu.memref_slice %arg4[%add3A, %dma_wait3A_359, %dma_wait3A_360] : memref<32x80x128xi32, #tpu.memory_space<hbm>> -> memref<1x8x128xi32, #tpu.memory_space<hbm>>
        %dma_wait3A_362 = tpu.memref_squeeze %dma_wait3A_361 : memref<1x8x128xi32, #tpu.memory_space<hbm>> -> memref<8x128xi32, #tpu.memory_space<hbm>>
        %dma_wait3A_363 = arith.constant 0 : i32
        %dma_wait3A_364 = arith.constant 0 : i32
        %dma_wait3A_365 = tpu.memref_slice %arg8[%dma_wait3A_354, %dma_wait3A_363, %dma_wait3A_364] : memref<2x8x128xi32, #tpu.memory_space<vmem>> -> memref<1x8x128xi32, #tpu.memory_space<vmem>>
        %dma_wait3A_366 = tpu.memref_squeeze %dma_wait3A_365 : memref<1x8x128xi32, #tpu.memory_space<vmem>> -> memref<8x128xi32, #tpu.memory_space<vmem>>
        %dma_wait3A_367 = arith.constant 0 : i32
        %dma_wait3A_368 = arith.constant 0 : i32
        %dma_wait3A_369 = tpu.memref_slice %arg4[%add3A, %dma_wait3A_367, %dma_wait3A_368] : memref<32x80x128xi32, #tpu.memory_space<hbm>> -> memref<1x8x128xi32, #tpu.memory_space<hbm>>
        %dma_wait3A_370 = tpu.memref_squeeze %dma_wait3A_369 : memref<1x8x128xi32, #tpu.memory_space<hbm>> -> memref<8x128xi32, #tpu.memory_space<hbm>>
        tpu.wait_dma2 semaphore(%arg17 : memref<!tpu.dma_semaphore, #tpu.memory_space<semaphore_mem>>) src(%dma_wait3A_370 : memref<8x128xi32, #tpu.memory_space<hbm>>) dst(%dma_wait3A_366 : memref<8x128xi32, #tpu.memory_space<vmem>>)
        %add3A_371 = arith.constant 1 : i32
        %add3A_372 = arith.addi %select_n3A_353, %add3A_371 : i32
        %min3A = arith.constant 9 : i32
        %min3A_373 = arith.minsi %add3A_372, %min3A : i32
        %mul3A_374 = arith.constant 8 : i32
        %mul3A_375 = arith.muli %min3A_373, %mul3A_374 : i32
        %dma_start3A_376 = arith.constant 0 : i32
        %dma_start3A_377 = arith.constant 0 : i32
        %dma_start3A_378 = arith.constant 0 : i32
        %dma_start3A_379 = tpu.memref_slice %arg8[%dma_start3A_376, %dma_start3A_377, %dma_start3A_378] : memref<2x8x128xi32, #tpu.memory_space<vmem>> -> memref<1x8x128xi32, #tpu.memory_space<vmem>>
        %dma_start3A_380 = tpu.memref_squeeze %dma_start3A_379 : memref<1x8x128xi32, #tpu.memory_space<vmem>> -> memref<8x128xi32, #tpu.memory_space<vmem>>
        %dma_start3A_381 = arith.constant 0 : i32
        %dma_start3A_382 = tpu.memref_slice %arg4[%add3A, %mul3A_375, %dma_start3A_381] : memref<32x80x128xi32, #tpu.memory_space<hbm>> -> memref<1x8x128xi32, #tpu.memory_space<hbm>>
        %dma_start3A_383 = tpu.memref_squeeze %dma_start3A_382 : memref<1x8x128xi32, #tpu.memory_space<hbm>> -> memref<8x128xi32, #tpu.memory_space<hbm>>
        %dma_start3A_384 = arith.constant 0 : i32
        %dma_start3A_385 = arith.constant 0 : i32
        %dma_start3A_386 = tpu.memref_slice %arg8[%dma_start3A_376, %dma_start3A_384, %dma_start3A_385] : memref<2x8x128xi32, #tpu.memory_space<vmem>> -> memref<1x8x128xi32, #tpu.memory_space<vmem>>
        %dma_start3A_387 = tpu.memref_squeeze %dma_start3A_386 : memref<1x8x128xi32, #tpu.memory_space<vmem>> -> memref<8x128xi32, #tpu.memory_space<vmem>>
        %dma_start3A_388 = arith.constant 0 : i32
        %dma_start3A_389 = tpu.memref_slice %arg4[%add3A, %mul3A_375, %dma_start3A_388] : memref<32x80x128xi32, #tpu.memory_space<hbm>> -> memref<1x8x128xi32, #tpu.memory_space<hbm>>
        %dma_start3A_390 = tpu.memref_squeeze %dma_start3A_389 : memref<1x8x128xi32, #tpu.memory_space<hbm>> -> memref<8x128xi32, #tpu.memory_space<hbm>>
        tpu.enqueue_dma source(%dma_start3A_390 : memref<8x128xi32, #tpu.memory_space<hbm>>) target(%dma_start3A_387 : memref<8x128xi32, #tpu.memory_space<vmem>>) target_semaphore(%arg16 : memref<!tpu.dma_semaphore, #tpu.memory_space<semaphore_mem>>)
      } else {
      }
      %jit3A_240 = arith.constant 16 : i32
      %eq3A_241 = arith.constant 0 : i32
      %eq3A_242 = arith.cmpi eq, %jit3A_240, %eq3A_241 : i32
      %jit3A_243 = arith.constant 1 : i32
      %select_n3A_244 = arith.select %eq3A_242, %jit3A_243, %jit3A_240 : i32
      %rem3A_245 = arith.remsi %add3A_204, %select_n3A_244 : i32
      %ne3A_246 = arith.constant 0 : i32
      %ne3A_247 = arith.cmpi ne, %rem3A_245, %ne3A_246 : i32
      %lt3A_248 = arith.constant 0 : i32
      %lt3A_249 = arith.cmpi slt, %rem3A_245, %lt3A_248 : i32
      %lt3A_250 = arith.constant 0 : i32
      %lt3A_251 = arith.cmpi slt, %select_n3A_244, %lt3A_250 : i32
      %ne3A_252 = arith.xori %lt3A_249, %lt3A_251 : i1
      %and3A_253 = arith.andi %ne3A_252, %ne3A_247 : i1
      %add3A_254 = arith.addi %rem3A_245, %select_n3A_244 : i32
      %select_n3A_255 = arith.select %and3A_253, %add3A_254, %rem3A_245 : i32
      %eq3A_256 = arith.constant 0 : i32
      %eq3A_257 = arith.cmpi eq, %select_n3A_255, %eq3A_256 : i32
      %convert_element_type3A_258 = arith.extui %eq3A_257 : i1 to i32
      %cond3A_259 = arith.constant 0 : i32
      %cond3A_260 = arith.cmpi ne, %convert_element_type3A_258, %cond3A_259 : i32
      scf.if %cond3A_260 {
        %jit3A_330 = arith.constant 8 : i32
        %div3A_331 = arith.divsi %add3A_204, %jit3A_330 : i32
        %sign3A_332 = arith.constant 0 : i32
        %sign3A_333 = arith.cmpi sgt, %add3A_204, %sign3A_332 : i32
        %sign3A_334 = arith.extui %sign3A_333 : i1 to i32
        %sign3A_335 = arith.constant 0 : i32
        %sign3A_336 = arith.cmpi slt, %add3A_204, %sign3A_335 : i32
        %sign3A_337 = arith.extui %sign3A_336 : i1 to i32
        %sign3A_338 = arith.subi %sign3A_334, %sign3A_337 : i32
        %sign3A_339 = arith.constant 0 : i32
        %sign3A_340 = arith.cmpi sgt, %jit3A_330, %sign3A_339 : i32
        %sign3A_341 = arith.extui %sign3A_340 : i1 to i32
        %sign3A_342 = arith.constant 0 : i32
        %sign3A_343 = arith.cmpi slt, %jit3A_330, %sign3A_342 : i32
        %sign3A_344 = arith.extui %sign3A_343 : i1 to i32
        %sign3A_345 = arith.subi %sign3A_341, %sign3A_344 : i32
        %ne3A_346 = arith.cmpi ne, %sign3A_338, %sign3A_345 : i32
        %rem3A_347 = arith.remsi %add3A_204, %jit3A_330 : i32
        %ne3A_348 = arith.constant 0 : i32
        %ne3A_349 = arith.cmpi ne, %rem3A_347, %ne3A_348 : i32
        %and3A_350 = arith.andi %ne3A_346, %ne3A_349 : i1
        %sub3A_351 = arith.constant 1 : i32
        %sub3A_352 = arith.subi %div3A_331, %sub3A_351 : i32
        %select_n3A_353 = arith.select %and3A_350, %sub3A_352, %div3A_331 : i32
        %dma_wait3A_354 = arith.constant 0 : i32
        %dma_wait3A_355 = arith.constant 0 : i32
        %dma_wait3A_356 = arith.constant 0 : i32
        %dma_wait3A_357 = tpu.memref_slice %arg8[%dma_wait3A_354, %dma_wait3A_355, %dma_wait3A_356] : memref<2x8x128xi32, #tpu.memory_space<vmem>> -> memref<1x8x128xi32, #tpu.memory_space<vmem>>
        %dma_wait3A_358 = tpu.memref_squeeze %dma_wait3A_357 : memref<1x8x128xi32, #tpu.memory_space<vmem>> -> memref<8x128xi32, #tpu.memory_space<vmem>>
        %dma_wait3A_359 = arith.constant 0 : i32
        %dma_wait3A_360 = arith.constant 0 : i32
        %dma_wait3A_361 = tpu.memref_slice %arg4[%add3A, %dma_wait3A_359, %dma_wait3A_360] : memref<32x80x128xi32, #tpu.memory_space<hbm>> -> memref<1x8x128xi32, #tpu.memory_space<hbm>>
        %dma_wait3A_362 = tpu.memref_squeeze %dma_wait3A_361 : memref<1x8x128xi32, #tpu.memory_space<hbm>> -> memref<8x128xi32, #tpu.memory_space<hbm>>
        %dma_wait3A_363 = arith.constant 0 : i32
        %dma_wait3A_364 = arith.constant 0 : i32
        %dma_wait3A_365 = tpu.memref_slice %arg8[%dma_wait3A_354, %dma_wait3A_363, %dma_wait3A_364] : memref<2x8x128xi32, #tpu.memory_space<vmem>> -> memref<1x8x128xi32, #tpu.memory_space<vmem>>
        %dma_wait3A_366 = tpu.memref_squeeze %dma_wait3A_365 : memref<1x8x128xi32, #tpu.memory_space<vmem>> -> memref<8x128xi32, #tpu.memory_space<vmem>>
        %dma_wait3A_367 = arith.constant 0 : i32
        %dma_wait3A_368 = arith.constant 0 : i32
        %dma_wait3A_369 = tpu.memref_slice %arg4[%add3A, %dma_wait3A_367, %dma_wait3A_368] : memref<32x80x128xi32, #tpu.memory_space<hbm>> -> memref<1x8x128xi32, #tpu.memory_space<hbm>>
        %dma_wait3A_370 = tpu.memref_squeeze %dma_wait3A_369 : memref<1x8x128xi32, #tpu.memory_space<hbm>> -> memref<8x128xi32, #tpu.memory_space<hbm>>
        tpu.wait_dma2 semaphore(%arg16 : memref<!tpu.dma_semaphore, #tpu.memory_space<semaphore_mem>>) src(%dma_wait3A_370 : memref<8x128xi32, #tpu.memory_space<hbm>>) dst(%dma_wait3A_366 : memref<8x128xi32, #tpu.memory_space<vmem>>)
        %add3A_371 = arith.constant 1 : i32
        %add3A_372 = arith.addi %select_n3A_353, %add3A_371 : i32
        %min3A = arith.constant 9 : i32
        %min3A_373 = arith.minsi %add3A_372, %min3A : i32
        %mul3A_374 = arith.constant 8 : i32
        %mul3A_375 = arith.muli %min3A_373, %mul3A_374 : i32
        %dma_start3A_376 = arith.constant 1 : i32
        %dma_start3A_377 = arith.constant 0 : i32
        %dma_start3A_378 = arith.constant 0 : i32
        %dma_start3A_379 = tpu.memref_slice %arg8[%dma_start3A_376, %dma_start3A_377, %dma_start3A_378] : memref<2x8x128xi32, #tpu.memory_space<vmem>> -> memref<1x8x128xi32, #tpu.memory_space<vmem>>
        %dma_start3A_380 = tpu.memref_squeeze %dma_start3A_379 : memref<1x8x128xi32, #tpu.memory_space<vmem>> -> memref<8x128xi32, #tpu.memory_space<vmem>>
        %dma_start3A_381 = arith.constant 0 : i32
        %dma_start3A_382 = tpu.memref_slice %arg4[%add3A, %mul3A_375, %dma_start3A_381] : memref<32x80x128xi32, #tpu.memory_space<hbm>> -> memref<1x8x128xi32, #tpu.memory_space<hbm>>
        %dma_start3A_383 = tpu.memref_squeeze %dma_start3A_382 : memref<1x8x128xi32, #tpu.memory_space<hbm>> -> memref<8x128xi32, #tpu.memory_space<hbm>>
        %dma_start3A_384 = arith.constant 0 : i32
        %dma_start3A_385 = arith.constant 0 : i32
        %dma_start3A_386 = tpu.memref_slice %arg8[%dma_start3A_376, %dma_start3A_384, %dma_start3A_385] : memref<2x8x128xi32, #tpu.memory_space<vmem>> -> memref<1x8x128xi32, #tpu.memory_space<vmem>>
        %dma_start3A_387 = tpu.memref_squeeze %dma_start3A_386 : memref<1x8x128xi32, #tpu.memory_space<vmem>> -> memref<8x128xi32, #tpu.memory_space<vmem>>
        %dma_start3A_388 = arith.constant 0 : i32
        %dma_start3A_389 = tpu.memref_slice %arg4[%add3A, %mul3A_375, %dma_start3A_388] : memref<32x80x128xi32, #tpu.memory_space<hbm>> -> memref<1x8x128xi32, #tpu.memory_space<hbm>>
        %dma_start3A_390 = tpu.memref_squeeze %dma_start3A_389 : memref<1x8x128xi32, #tpu.memory_space<hbm>> -> memref<8x128xi32, #tpu.memory_space<hbm>>
        tpu.enqueue_dma source(%dma_start3A_390 : memref<8x128xi32, #tpu.memory_space<hbm>>) target(%dma_start3A_387 : memref<8x128xi32, #tpu.memory_space<vmem>>) target_semaphore(%arg17 : memref<!tpu.dma_semaphore, #tpu.memory_space<semaphore_mem>>)
      } else {
      }
      %dma_wait3A_261 = arith.constant 0 : i32
      %dma_wait3A_262 = arith.constant 0 : i32
      %dma_wait3A_263 = tpu.memref_slice %arg7[%dma_wait3A_261, %dma_wait3A_262] : memref<80x128xi32, #tpu.memory_space<vmem>> -> memref<1x128xi32, #tpu.memory_space<vmem>>
      %dma_wait3A_264 = tpu.memref_squeeze %dma_wait3A_263 : memref<1x128xi32, #tpu.memory_space<vmem>> -> memref<128xi32, #tpu.memory_space<vmem>>
      %dma_wait3A_265 = arith.constant 0 : i32
      %dma_wait3A_266 = arith.constant 0 : i32
      %dma_wait3A_267 = tpu.memref_slice %arg2[%dma_wait3A_265, %dma_wait3A_266] : memref<10000x128xf32, #tpu.memory_space<hbm>> -> memref<10000x128xf32, #tpu.memory_space<hbm>>
      tpu.wait_indirect_dma semaphore(%arg12 : memref<!tpu.dma_semaphore, #tpu.memory_space<semaphore_mem>>) src(%dma_wait3A_267 : memref<10000x128xf32, #tpu.memory_space<hbm>>) dst(%arg9 : memref<128x128xf32, #tpu.memory_space<vmem>>)
      %jit3A_268 = arith.constant 8 : i32
      %div3A_269 = arith.divsi %add3A_204, %jit3A_268 : i32
      %sign3A_270 = arith.constant 0 : i32
      %sign3A_271 = arith.cmpi sgt, %add3A_204, %sign3A_270 : i32
      %sign3A_272 = arith.extui %sign3A_271 : i1 to i32
      %sign3A_273 = arith.constant 0 : i32
      %sign3A_274 = arith.cmpi slt, %add3A_204, %sign3A_273 : i32
      %sign3A_275 = arith.extui %sign3A_274 : i1 to i32
      %sign3A_276 = arith.subi %sign3A_272, %sign3A_275 : i32
      %sign3A_277 = arith.constant 0 : i32
      %sign3A_278 = arith.cmpi sgt, %jit3A_268, %sign3A_277 : i32
      %sign3A_279 = arith.extui %sign3A_278 : i1 to i32
      %sign3A_280 = arith.constant 0 : i32
      %sign3A_281 = arith.cmpi slt, %jit3A_268, %sign3A_280 : i32
      %sign3A_282 = arith.extui %sign3A_281 : i1 to i32
      %sign3A_283 = arith.subi %sign3A_279, %sign3A_282 : i32
      %ne3A_284 = arith.cmpi ne, %sign3A_276, %sign3A_283 : i32
      %rem3A_285 = arith.remsi %add3A_204, %jit3A_268 : i32
      %ne3A_286 = arith.constant 0 : i32
      %ne3A_287 = arith.cmpi ne, %rem3A_285, %ne3A_286 : i32
      %and3A_288 = arith.andi %ne3A_284, %ne3A_287 : i1
      %sub3A_289 = arith.constant 1 : i32
      %sub3A_290 = arith.subi %div3A_269, %sub3A_289 : i32
      %select_n3A_291 = arith.select %and3A_288, %sub3A_290, %div3A_269 : i32
      %jit3A_292 = arith.constant 2 : i32
      %eq3A_293 = arith.constant 0 : i32
      %eq3A_294 = arith.cmpi eq, %jit3A_292, %eq3A_293 : i32
      %jit3A_295 = arith.constant 1 : i32
      %select_n3A_296 = arith.select %eq3A_294, %jit3A_295, %jit3A_292 : i32
      %rem3A_297 = arith.remsi %select_n3A_291, %select_n3A_296 : i32
      %ne3A_298 = arith.constant 0 : i32
      %ne3A_299 = arith.cmpi ne, %rem3A_297, %ne3A_298 : i32
      %lt3A_300 = arith.constant 0 : i32
      %lt3A_301 = arith.cmpi slt, %rem3A_297, %lt3A_300 : i32
      %lt3A_302 = arith.constant 0 : i32
      %lt3A_303 = arith.cmpi slt, %select_n3A_296, %lt3A_302 : i32
      %ne3A_304 = arith.xori %lt3A_301, %lt3A_303 : i1
      %and3A_305 = arith.andi %ne3A_304, %ne3A_299 : i1
      %add3A_306 = arith.addi %rem3A_297, %select_n3A_296 : i32
      %select_n3A_307 = arith.select %and3A_305, %add3A_306, %rem3A_297 : i32
      %jit3A_308 = arith.constant 8 : i32
      %eq3A_309 = arith.constant 0 : i32
      %eq3A_310 = arith.cmpi eq, %jit3A_308, %eq3A_309 : i32
      %jit3A_311 = arith.constant 1 : i32
      %select_n3A_312 = arith.select %eq3A_310, %jit3A_311, %jit3A_308 : i32
      %rem3A_313 = arith.remsi %add3A_204, %select_n3A_312 : i32
      %ne3A_314 = arith.constant 0 : i32
      %ne3A_315 = arith.cmpi ne, %rem3A_313, %ne3A_314 : i32
      %lt3A_316 = arith.constant 0 : i32
      %lt3A_317 = arith.cmpi slt, %rem3A_313, %lt3A_316 : i32
      %lt3A_318 = arith.constant 0 : i32
      %lt3A_319 = arith.cmpi slt, %select_n3A_312, %lt3A_318 : i32
      %ne3A_320 = arith.xori %lt3A_317, %lt3A_319 : i1
      %and3A_321 = arith.andi %ne3A_320, %ne3A_315 : i1
      %add3A_322 = arith.addi %rem3A_313, %select_n3A_312 : i32
      %select_n3A_323 = arith.select %and3A_321, %add3A_322, %rem3A_313 : i32
      %dma_start3A_324 = arith.constant 0 : i32
      %dma_start3A_325 = tpu.memref_slice %arg8[%select_n3A_307, %select_n3A_323, %dma_start3A_324] : memref<2x8x128xi32, #tpu.memory_space<vmem>> -> memref<1x1x128xi32, #tpu.memory_space<vmem>>
      %dma_start3A_326 = tpu.memref_squeeze %dma_start3A_325 : memref<1x1x128xi32, #tpu.memory_space<vmem>> -> memref<128xi32, #tpu.memory_space<vmem>>
      %dma_start3A_327 = arith.constant 0 : i32
      %dma_start3A_328 = arith.constant 0 : i32
      %dma_start3A_329 = tpu.memref_slice %arg11[%dma_start3A_327, %dma_start3A_328] : memref<10240x128xf32, #tpu.memory_space<vmem_shared>> -> memref<10240x128xf32, #tpu.memory_space<vmem_shared>>
      tpu.enqueue_indirect_dma source(%arg9 : memref<128x128xf32, #tpu.memory_space<vmem>>) target(%dma_start3A_329 : memref<10240x128xf32, #tpu.memory_space<vmem_shared>>) offsets(%dma_start3A_326 : memref<128xi32, #tpu.memory_space<vmem>>) semaphore(%arg14 : memref<!tpu.dma_semaphore, #tpu.memory_space<semaphore_mem>>) {add = true}
    }
    %scan3A_69 = arith.constant 39 : i32
    %dma_wait3A_70 = arith.constant 0 : i32
    %dma_wait3A_71 = arith.constant 0 : i32
    %dma_wait3A_72 = tpu.memref_slice %arg7[%dma_wait3A_70, %dma_wait3A_71] : memref<80x128xi32, #tpu.memory_space<vmem>> -> memref<1x128xi32, #tpu.memory_space<vmem>>
    %dma_wait3A_73 = tpu.memref_squeeze %dma_wait3A_72 : memref<1x128xi32, #tpu.memory_space<vmem>> -> memref<128xi32, #tpu.memory_space<vmem>>
    %dma_wait3A_74 = arith.constant 0 : i32
    %dma_wait3A_75 = arith.constant 0 : i32
    %dma_wait3A_76 = tpu.memref_slice %arg2[%dma_wait3A_74, %dma_wait3A_75] : memref<10000x128xf32, #tpu.memory_space<hbm>> -> memref<10000x128xf32, #tpu.memory_space<hbm>>
    tpu.wait_indirect_dma semaphore(%arg13 : memref<!tpu.dma_semaphore, #tpu.memory_space<semaphore_mem>>) src(%dma_wait3A_76 : memref<10000x128xf32, #tpu.memory_space<hbm>>) dst(%arg10 : memref<128x128xf32, #tpu.memory_space<vmem>>)
    %dma_wait3A_77 = arith.constant 0 : i32
    %dma_wait3A_78 = arith.constant 0 : i32
    %dma_wait3A_79 = arith.constant 0 : i32
    %dma_wait3A_80 = tpu.memref_slice %arg8[%dma_wait3A_77, %dma_wait3A_78, %dma_wait3A_79] : memref<2x8x128xi32, #tpu.memory_space<vmem>> -> memref<1x1x128xi32, #tpu.memory_space<vmem>>
    %dma_wait3A_81 = tpu.memref_squeeze %dma_wait3A_80 : memref<1x1x128xi32, #tpu.memory_space<vmem>> -> memref<128xi32, #tpu.memory_space<vmem>>
    %dma_wait3A_82 = arith.constant 0 : i32
    %dma_wait3A_83 = arith.constant 0 : i32
    %dma_wait3A_84 = tpu.memref_slice %arg11[%dma_wait3A_82, %dma_wait3A_83] : memref<10240x128xf32, #tpu.memory_space<vmem_shared>> -> memref<10240x128xf32, #tpu.memory_space<vmem_shared>>
    tpu.wait_indirect_dma semaphore(%arg14 : memref<!tpu.dma_semaphore, #tpu.memory_space<semaphore_mem>>) src(%arg9 : memref<128x128xf32, #tpu.memory_space<vmem>>) dst(%dma_wait3A_84 : memref<10240x128xf32, #tpu.memory_space<vmem_shared>>)
    %dma_start3A_85 = arith.constant 1 : i32
    %dma_start3A_86 = arith.constant 7 : i32
    %dma_start3A_87 = arith.constant 0 : i32
    %dma_start3A_88 = tpu.memref_slice %arg8[%dma_start3A_85, %dma_start3A_86, %dma_start3A_87] : memref<2x8x128xi32, #tpu.memory_space<vmem>> -> memref<1x1x128xi32, #tpu.memory_space<vmem>>
    %dma_start3A_89 = tpu.memref_squeeze %dma_start3A_88 : memref<1x1x128xi32, #tpu.memory_space<vmem>> -> memref<128xi32, #tpu.memory_space<vmem>>
    %dma_start3A_90 = arith.constant 0 : i32
    %dma_start3A_91 = arith.constant 0 : i32
    %dma_start3A_92 = tpu.memref_slice %arg11[%dma_start3A_90, %dma_start3A_91] : memref<10240x128xf32, #tpu.memory_space<vmem_shared>> -> memref<10240x128xf32, #tpu.memory_space<vmem_shared>>
    tpu.enqueue_indirect_dma source(%arg10 : memref<128x128xf32, #tpu.memory_space<vmem>>) target(%dma_start3A_92 : memref<10240x128xf32, #tpu.memory_space<vmem_shared>>) offsets(%dma_start3A_89 : memref<128xi32, #tpu.memory_space<vmem>>) semaphore(%arg15 : memref<!tpu.dma_semaphore, #tpu.memory_space<semaphore_mem>>) {add = true}
    %dma_wait3A_93 = arith.constant 0 : i32
    %dma_wait3A_94 = arith.constant 0 : i32
    %dma_wait3A_95 = arith.constant 0 : i32
    %dma_wait3A_96 = tpu.memref_slice %arg8[%dma_wait3A_93, %dma_wait3A_94, %dma_wait3A_95] : memref<2x8x128xi32, #tpu.memory_space<vmem>> -> memref<1x1x128xi32, #tpu.memory_space<vmem>>
    %dma_wait3A_97 = tpu.memref_squeeze %dma_wait3A_96 : memref<1x1x128xi32, #tpu.memory_space<vmem>> -> memref<128xi32, #tpu.memory_space<vmem>>
    %dma_wait3A_98 = arith.constant 0 : i32
    %dma_wait3A_99 = arith.constant 0 : i32
    %dma_wait3A_100 = tpu.memref_slice %arg11[%dma_wait3A_98, %dma_wait3A_99] : memref<10240x128xf32, #tpu.memory_space<vmem_shared>> -> memref<10240x128xf32, #tpu.memory_space<vmem_shared>>
    tpu.wait_indirect_dma semaphore(%arg15 : memref<!tpu.dma_semaphore, #tpu.memory_space<semaphore_mem>>) src(%arg10 : memref<128x128xf32, #tpu.memory_space<vmem>>) dst(%dma_wait3A_100 : memref<10240x128xf32, #tpu.memory_space<vmem_shared>>)
    %dma_wait3A_101 = arith.constant 0 : i32
    %dma_wait3A_102 = arith.constant 0 : i32
    %dma_wait3A_103 = arith.constant 0 : i32
    %dma_wait3A_104 = tpu.memref_slice %arg8[%dma_wait3A_101, %dma_wait3A_102, %dma_wait3A_103] : memref<2x8x128xi32, #tpu.memory_space<vmem>> -> memref<1x8x128xi32, #tpu.memory_space<vmem>>
    %dma_wait3A_105 = tpu.memref_squeeze %dma_wait3A_104 : memref<1x8x128xi32, #tpu.memory_space<vmem>> -> memref<8x128xi32, #tpu.memory_space<vmem>>
    %dma_wait3A_106 = arith.constant 0 : i32
    %dma_wait3A_107 = arith.constant 0 : i32
    %dma_wait3A_108 = tpu.memref_slice %arg4[%add3A, %dma_wait3A_106, %dma_wait3A_107] : memref<32x80x128xi32, #tpu.memory_space<hbm>> -> memref<1x8x128xi32, #tpu.memory_space<hbm>>
    %dma_wait3A_109 = tpu.memref_squeeze %dma_wait3A_108 : memref<1x8x128xi32, #tpu.memory_space<hbm>> -> memref<8x128xi32, #tpu.memory_space<hbm>>
    %dma_wait3A_110 = arith.constant 0 : i32
    %dma_wait3A_111 = arith.constant 0 : i32
    %dma_wait3A_112 = tpu.memref_slice %arg8[%dma_wait3A_101, %dma_wait3A_110, %dma_wait3A_111] : memref<2x8x128xi32, #tpu.memory_space<vmem>> -> memref<1x8x128xi32, #tpu.memory_space<vmem>>
    %dma_wait3A_113 = tpu.memref_squeeze %dma_wait3A_112 : memref<1x8x128xi32, #tpu.memory_space<vmem>> -> memref<8x128xi32, #tpu.memory_space<vmem>>
    %dma_wait3A_114 = arith.constant 0 : i32
    %dma_wait3A_115 = arith.constant 0 : i32
    %dma_wait3A_116 = tpu.memref_slice %arg4[%add3A, %dma_wait3A_114, %dma_wait3A_115] : memref<32x80x128xi32, #tpu.memory_space<hbm>> -> memref<1x8x128xi32, #tpu.memory_space<hbm>>
    %dma_wait3A_117 = tpu.memref_squeeze %dma_wait3A_116 : memref<1x8x128xi32, #tpu.memory_space<hbm>> -> memref<8x128xi32, #tpu.memory_space<hbm>>
    tpu.wait_dma2 semaphore(%arg16 : memref<!tpu.dma_semaphore, #tpu.memory_space<semaphore_mem>>) src(%dma_wait3A_117 : memref<8x128xi32, #tpu.memory_space<hbm>>) dst(%dma_wait3A_113 : memref<8x128xi32, #tpu.memory_space<vmem>>)
    %barrier3A_118 = arith.constant 0 : index
    tpu.barrier barrier_id(%barrier3A_118)
    %mul3A_119 = arith.constant 640 : i32
    %mul3A_120 = arith.muli %arg1, %mul3A_119 : i32
    %mul3A_121 = arith.constant 640 : i32
    %mul3A_122 = arith.muli %arg1, %mul3A_121 : i32
    "tpu.region"() ({
      %run_scoped3A_123 = tpu.sem_alloc : memref<!tpu.dma_semaphore, #tpu.memory_space<semaphore_mem>>
      %dma_start3A_124 = arith.constant 0 : i32
      %dma_start3A_125 = arith.constant 0 : i32
      %dma_start3A_126 = tpu.memref_slice %arg6[%arg0, %dma_start3A_124, %dma_start3A_125] : memref<2x10240x128xf32, #tpu.memory_space<hbm>> -> memref<1x10240x128xf32, #tpu.memory_space<hbm>>
      %dma_start3A_127 = tpu.memref_squeeze %dma_start3A_126 : memref<1x10240x128xf32, #tpu.memory_space<hbm>> -> memref<10240x128xf32, #tpu.memory_space<hbm>>
      %dma_start3A_128 = arith.constant 0 : i32
      %dma_start3A_129 = tpu.memref_slice %dma_start3A_127[%mul3A_122, %dma_start3A_128] : memref<10240x128xf32, #tpu.memory_space<hbm>> -> memref<640x128xf32, #tpu.memory_space<hbm>>
      %dma_start3A_130 = arith.constant 0 : i32
      %dma_start3A_131 = tpu.memref_slice %arg11[%mul3A_120, %dma_start3A_130] : memref<10240x128xf32, #tpu.memory_space<vmem_shared>> -> memref<640x128xf32, #tpu.memory_space<vmem_shared>>
      tpu.enqueue_dma source(%dma_start3A_131 : memref<640x128xf32, #tpu.memory_space<vmem_shared>>) target(%dma_start3A_129 : memref<640x128xf32, #tpu.memory_space<hbm>>) target_semaphore(%run_scoped3A_123 : memref<!tpu.dma_semaphore, #tpu.memory_space<semaphore_mem>>)
      %dma_wait3A_132 = arith.constant 0 : i32
      %dma_wait3A_133 = arith.constant 0 : i32
      %dma_wait3A_134 = tpu.memref_slice %arg6[%arg0, %dma_wait3A_132, %dma_wait3A_133] : memref<2x10240x128xf32, #tpu.memory_space<hbm>> -> memref<1x10240x128xf32, #tpu.memory_space<hbm>>
      %dma_wait3A_135 = tpu.memref_squeeze %dma_wait3A_134 : memref<1x10240x128xf32, #tpu.memory_space<hbm>> -> memref<10240x128xf32, #tpu.memory_space<hbm>>
      %dma_wait3A_136 = arith.constant 0 : i32
      %dma_wait3A_137 = tpu.memref_slice %dma_wait3A_135[%mul3A_122, %dma_wait3A_136] : memref<10240x128xf32, #tpu.memory_space<hbm>> -> memref<640x128xf32, #tpu.memory_space<hbm>>
      %dma_wait3A_138 = arith.constant 0 : i32
      %dma_wait3A_139 = tpu.memref_slice %arg11[%mul3A_120, %dma_wait3A_138] : memref<10240x128xf32, #tpu.memory_space<vmem_shared>> -> memref<640x128xf32, #tpu.memory_space<vmem_shared>>
      tpu.wait_dma2 semaphore(%run_scoped3A_123 : memref<!tpu.dma_semaphore, #tpu.memory_space<semaphore_mem>>) src(%dma_wait3A_139 : memref<640x128xf32, #tpu.memory_space<vmem_shared>>) dst(%dma_wait3A_137 : memref<640x128xf32, #tpu.memory_space<hbm>>)
      tpu.yield
    }) : () -> ()
    return
  }
}

#map = affine_map<(d0, d1) -> (0, 0)>
#map1 = affine_map<(d0, d1) -> (0, 0, 0)>
module attributes {stable_mosaic.version = 14 : i64} {
  func.func @k(%arg0: i32, %arg1: i32, %arg2: memref<10000x128xf32, #tpu.memory_space<hbm>>, %arg3: memref<32x80x128xi32, #tpu.memory_space<hbm>>, %arg4: memref<32x80x128xi32, #tpu.memory_space<hbm>>, %arg5: memref<128x128xf32, #tpu.memory_space<hbm>>, %arg6: memref<2x10240x128xf32, #tpu.memory_space<hbm>>, %arg7: memref<80x128xi32, #tpu.memory_space<vmem>>, %arg8: memref<2x8x128xi32, #tpu.memory_space<vmem>>, %arg9: memref<128x128xf32, #tpu.memory_space<vmem>>, %arg10: memref<128x128xf32, #tpu.memory_space<vmem>>, %arg11: memref<10240x128xf32, #tpu.memory_space<vmem_shared>>, %arg12: memref<!tpu.dma_semaphore, #tpu.memory_space<semaphore_mem>>, %arg13: memref<!tpu.dma_semaphore, #tpu.memory_space<semaphore_mem>>, %arg14: memref<!tpu.dma_semaphore, #tpu.memory_space<semaphore_mem>>, %arg15: memref<!tpu.dma_semaphore, #tpu.memory_space<semaphore_mem>>, %arg16: memref<!tpu.dma_semaphore, #tpu.memory_space<semaphore_mem>>, %arg17: memref<!tpu.dma_semaphore, #tpu.memory_space<semaphore_mem>>) attributes {dimension_semantics = [#tpu.dimension_semantics<core_parallel>, #tpu.dimension_semantics<subcore_parallel>], iteration_bounds = array<i64: 2, 16>, scalar_prefetch = 0 : i64, scratch_operands = 11 : i64, tpu.core_type = #tpu.core_type<sc_vector_subcore>, window_params = [{transform_indices = #map}, {transform_indices = #map1}, {transform_indices = #map1}, {transform_indices = #map}, {transform_indices = #map1}]} {
    %mul3A = arith.constant 16 : i32
    %mul3A_0 = arith.muli %arg0, %mul3A : i32
    %add3A = arith.addi %mul3A_0, %arg1 : i32
    "tpu.region"() ({
      %run_scoped3A_123 = tpu.sem_alloc : memref<!tpu.dma_semaphore, #tpu.memory_space<semaphore_mem>>
      %dma_start3A_124 = arith.constant 0 : i32
      %dma_start3A_125 = arith.constant 0 : i32
      %dma_start3A_126 = tpu.memref_slice %arg3[%add3A, %dma_start3A_124, %dma_start3A_125] : memref<32x80x128xi32, #tpu.memory_space<hbm>> -> memref<1x80x128xi32, #tpu.memory_space<hbm>>
      %dma_start3A_127 = tpu.memref_squeeze %dma_start3A_126 : memref<1x80x128xi32, #tpu.memory_space<hbm>> -> memref<80x128xi32, #tpu.memory_space<hbm>>
      %dma_start3A_128 = arith.constant 0 : i32
      %dma_start3A_129 = arith.constant 0 : i32
      %dma_start3A_130 = tpu.memref_slice %arg3[%add3A, %dma_start3A_128, %dma_start3A_129] : memref<32x80x128xi32, #tpu.memory_space<hbm>> -> memref<1x80x128xi32, #tpu.memory_space<hbm>>
      %dma_start3A_131 = tpu.memref_squeeze %dma_start3A_130 : memref<1x80x128xi32, #tpu.memory_space<hbm>> -> memref<80x128xi32, #tpu.memory_space<hbm>>
      tpu.enqueue_dma source(%dma_start3A_131 : memref<80x128xi32, #tpu.memory_space<hbm>>) target(%arg7 : memref<80x128xi32, #tpu.memory_space<vmem>>) target_semaphore(%run_scoped3A_123 : memref<!tpu.dma_semaphore, #tpu.memory_space<semaphore_mem>>)
      %dma_wait3A_132 = arith.constant 0 : i32
      %dma_wait3A_133 = arith.constant 0 : i32
      %dma_wait3A_134 = tpu.memref_slice %arg3[%add3A, %dma_wait3A_132, %dma_wait3A_133] : memref<32x80x128xi32, #tpu.memory_space<hbm>> -> memref<1x80x128xi32, #tpu.memory_space<hbm>>
      %dma_wait3A_135 = tpu.memref_squeeze %dma_wait3A_134 : memref<1x80x128xi32, #tpu.memory_space<hbm>> -> memref<80x128xi32, #tpu.memory_space<hbm>>
      %dma_wait3A_136 = arith.constant 0 : i32
      %dma_wait3A_137 = arith.constant 0 : i32
      %dma_wait3A_138 = tpu.memref_slice %arg3[%add3A, %dma_wait3A_136, %dma_wait3A_137] : memref<32x80x128xi32, #tpu.memory_space<hbm>> -> memref<1x80x128xi32, #tpu.memory_space<hbm>>
      %dma_wait3A_139 = tpu.memref_squeeze %dma_wait3A_138 : memref<1x80x128xi32, #tpu.memory_space<hbm>> -> memref<80x128xi32, #tpu.memory_space<hbm>>
      tpu.wait_dma2 semaphore(%run_scoped3A_123 : memref<!tpu.dma_semaphore, #tpu.memory_space<semaphore_mem>>) src(%dma_wait3A_139 : memref<80x128xi32, #tpu.memory_space<hbm>>) dst(%arg7 : memref<80x128xi32, #tpu.memory_space<vmem>>)
      tpu.yield
    }) : () -> ()
    %mul3A_1 = arith.constant 640 : i32
    %mul3A_2 = arith.muli %arg1, %mul3A_1 : i32
    %add3A_3 = arith.constant 0 : i32
    %add3A_4 = arith.addi %mul3A_2, %add3A_3 : i32
    "tpu.region"() ({
      %run_scoped3A_123 = tpu.sem_alloc : memref<!tpu.dma_semaphore, #tpu.memory_space<semaphore_mem>>
      %dma_start3A_124 = arith.constant 0 : i32
      %dma_start3A_125 = tpu.memref_slice %arg11[%add3A_4, %dma_start3A_124] : memref<10240x128xf32, #tpu.memory_space<vmem_shared>> -> memref<128x128xf32, #tpu.memory_space<vmem_shared>>
      tpu.enqueue_dma source(%arg5 : memref<128x128xf32, #tpu.memory_space<hbm>>) target(%dma_start3A_125 : memref<128x128xf32, #tpu.memory_space<vmem_shared>>) target_semaphore(%run_scoped3A_123 : memref<!tpu.dma_semaphore, #tpu.memory_space<semaphore_mem>>)
      %dma_wait3A_126 = arith.constant 0 : i32
      %dma_wait3A_127 = tpu.memref_slice %arg11[%add3A_4, %dma_wait3A_126] : memref<10240x128xf32, #tpu.memory_space<vmem_shared>> -> memref<128x128xf32, #tpu.memory_space<vmem_shared>>
      tpu.wait_dma2 semaphore(%run_scoped3A_123 : memref<!tpu.dma_semaphore, #tpu.memory_space<semaphore_mem>>) src(%arg5 : memref<128x128xf32, #tpu.memory_space<hbm>>) dst(%dma_wait3A_127 : memref<128x128xf32, #tpu.memory_space<vmem_shared>>)
      tpu.yield
    }) : () -> ()
    %mul3A_5 = arith.constant 640 : i32
    %mul3A_6 = arith.muli %arg1, %mul3A_5 : i32
    %add3A_7 = arith.constant 128 : i32
    %add3A_8 = arith.addi %mul3A_6, %add3A_7 : i32
    "tpu.region"() ({
      %run_scoped3A_123 = tpu.sem_alloc : memref<!tpu.dma_semaphore, #tpu.memory_space<semaphore_mem>>
      %dma_start3A_124 = arith.constant 0 : i32
      %dma_start3A_125 = tpu.memref_slice %arg11[%add3A_8, %dma_start3A_124] : memref<10240x128xf32, #tpu.memory_space<vmem_shared>> -> memref<128x128xf32, #tpu.memory_space<vmem_shared>>
      tpu.enqueue_dma source(%arg5 : memref<128x128xf32, #tpu.memory_space<hbm>>) target(%dma_start3A_125 : memref<128x128xf32, #tpu.memory_space<vmem_shared>>) target_semaphore(%run_scoped3A_123 : memref<!tpu.dma_semaphore, #tpu.memory_space<semaphore_mem>>)
      %dma_wait3A_126 = arith.constant 0 : i32
      %dma_wait3A_127 = tpu.memref_slice %arg11[%add3A_8, %dma_wait3A_126] : memref<10240x128xf32, #tpu.memory_space<vmem_shared>> -> memref<128x128xf32, #tpu.memory_space<vmem_shared>>
      tpu.wait_dma2 semaphore(%run_scoped3A_123 : memref<!tpu.dma_semaphore, #tpu.memory_space<semaphore_mem>>) src(%arg5 : memref<128x128xf32, #tpu.memory_space<hbm>>) dst(%dma_wait3A_127 : memref<128x128xf32, #tpu.memory_space<vmem_shared>>)
      tpu.yield
    }) : () -> ()
    %mul3A_9 = arith.constant 640 : i32
    %mul3A_10 = arith.muli %arg1, %mul3A_9 : i32
    %add3A_11 = arith.constant 256 : i32
    %add3A_12 = arith.addi %mul3A_10, %add3A_11 : i32
    "tpu.region"() ({
      %run_scoped3A_123 = tpu.sem_alloc : memref<!tpu.dma_semaphore, #tpu.memory_space<semaphore_mem>>
      %dma_start3A_124 = arith.constant 0 : i32
      %dma_start3A_125 = tpu.memref_slice %arg11[%add3A_12, %dma_start3A_124] : memref<10240x128xf32, #tpu.memory_space<vmem_shared>> -> memref<128x128xf32, #tpu.memory_space<vmem_shared>>
      tpu.enqueue_dma source(%arg5 : memref<128x128xf32, #tpu.memory_space<hbm>>) target(%dma_start3A_125 : memref<128x128xf32, #tpu.memory_space<vmem_shared>>) target_semaphore(%run_scoped3A_123 : memref<!tpu.dma_semaphore, #tpu.memory_space<semaphore_mem>>)
      %dma_wait3A_126 = arith.constant 0 : i32
      %dma_wait3A_127 = tpu.memref_slice %arg11[%add3A_12, %dma_wait3A_126] : memref<10240x128xf32, #tpu.memory_space<vmem_shared>> -> memref<128x128xf32, #tpu.memory_space<vmem_shared>>
      tpu.wait_dma2 semaphore(%run_scoped3A_123 : memref<!tpu.dma_semaphore, #tpu.memory_space<semaphore_mem>>) src(%arg5 : memref<128x128xf32, #tpu.memory_space<hbm>>) dst(%dma_wait3A_127 : memref<128x128xf32, #tpu.memory_space<vmem_shared>>)
      tpu.yield
    }) : () -> ()
    %mul3A_13 = arith.constant 640 : i32
    %mul3A_14 = arith.muli %arg1, %mul3A_13 : i32
    %add3A_15 = arith.constant 384 : i32
    %add3A_16 = arith.addi %mul3A_14, %add3A_15 : i32
    "tpu.region"() ({
      %run_scoped3A_123 = tpu.sem_alloc : memref<!tpu.dma_semaphore, #tpu.memory_space<semaphore_mem>>
      %dma_start3A_124 = arith.constant 0 : i32
      %dma_start3A_125 = tpu.memref_slice %arg11[%add3A_16, %dma_start3A_124] : memref<10240x128xf32, #tpu.memory_space<vmem_shared>> -> memref<128x128xf32, #tpu.memory_space<vmem_shared>>
      tpu.enqueue_dma source(%arg5 : memref<128x128xf32, #tpu.memory_space<hbm>>) target(%dma_start3A_125 : memref<128x128xf32, #tpu.memory_space<vmem_shared>>) target_semaphore(%run_scoped3A_123 : memref<!tpu.dma_semaphore, #tpu.memory_space<semaphore_mem>>)
      %dma_wait3A_126 = arith.constant 0 : i32
      %dma_wait3A_127 = tpu.memref_slice %arg11[%add3A_16, %dma_wait3A_126] : memref<10240x128xf32, #tpu.memory_space<vmem_shared>> -> memref<128x128xf32, #tpu.memory_space<vmem_shared>>
      tpu.wait_dma2 semaphore(%run_scoped3A_123 : memref<!tpu.dma_semaphore, #tpu.memory_space<semaphore_mem>>) src(%arg5 : memref<128x128xf32, #tpu.memory_space<hbm>>) dst(%dma_wait3A_127 : memref<128x128xf32, #tpu.memory_space<vmem_shared>>)
      tpu.yield
    }) : () -> ()
    %mul3A_17 = arith.constant 640 : i32
    %mul3A_18 = arith.muli %arg1, %mul3A_17 : i32
    %add3A_19 = arith.constant 512 : i32
    %add3A_20 = arith.addi %mul3A_18, %add3A_19 : i32
    "tpu.region"() ({
      %run_scoped3A_123 = tpu.sem_alloc : memref<!tpu.dma_semaphore, #tpu.memory_space<semaphore_mem>>
      %dma_start3A_124 = arith.constant 0 : i32
      %dma_start3A_125 = tpu.memref_slice %arg11[%add3A_20, %dma_start3A_124] : memref<10240x128xf32, #tpu.memory_space<vmem_shared>> -> memref<128x128xf32, #tpu.memory_space<vmem_shared>>
      tpu.enqueue_dma source(%arg5 : memref<128x128xf32, #tpu.memory_space<hbm>>) target(%dma_start3A_125 : memref<128x128xf32, #tpu.memory_space<vmem_shared>>) target_semaphore(%run_scoped3A_123 : memref<!tpu.dma_semaphore, #tpu.memory_space<semaphore_mem>>)
      %dma_wait3A_126 = arith.constant 0 : i32
      %dma_wait3A_127 = tpu.memref_slice %arg11[%add3A_20, %dma_wait3A_126] : memref<10240x128xf32, #tpu.memory_space<vmem_shared>> -> memref<128x128xf32, #tpu.memory_space<vmem_shared>>
      tpu.wait_dma2 semaphore(%run_scoped3A_123 : memref<!tpu.dma_semaphore, #tpu.memory_space<semaphore_mem>>) src(%arg5 : memref<128x128xf32, #tpu.memory_space<hbm>>) dst(%dma_wait3A_127 : memref<128x128xf32, #tpu.memory_space<vmem_shared>>)
      tpu.yield
    }) : () -> ()
    %barrier3A = arith.constant 0 : index
    tpu.barrier barrier_id(%barrier3A)
    %run_scoped3A = arith.constant 0 : i32
    "tpu.region"() ({
      %run_scoped3A_123 = tpu.sem_alloc : memref<!tpu.dma_semaphore, #tpu.memory_space<semaphore_mem>>
      %dma_start3A_124 = arith.constant 0 : i32
      %dma_start3A_125 = arith.constant 0 : i32
      %dma_start3A_126 = tpu.memref_slice %arg8[%run_scoped3A, %dma_start3A_124, %dma_start3A_125] : memref<2x8x128xi32, #tpu.memory_space<vmem>> -> memref<1x8x128xi32, #tpu.memory_space<vmem>>
      %dma_start3A_127 = tpu.memref_squeeze %dma_start3A_126 : memref<1x8x128xi32, #tpu.memory_space<vmem>> -> memref<8x128xi32, #tpu.memory_space<vmem>>
      %dma_start3A_128 = arith.constant 0 : i32
      %dma_start3A_129 = arith.constant 0 : i32
      %dma_start3A_130 = tpu.memref_slice %arg4[%add3A, %dma_start3A_128, %dma_start3A_129] : memref<32x80x128xi32, #tpu.memory_space<hbm>> -> memref<1x8x128xi32, #tpu.memory_space<hbm>>
      %dma_start3A_131 = tpu.memref_squeeze %dma_start3A_130 : memref<1x8x128xi32, #tpu.memory_space<hbm>> -> memref<8x128xi32, #tpu.memory_space<hbm>>
      %dma_start3A_132 = arith.constant 0 : i32
      %dma_start3A_133 = arith.constant 0 : i32
      %dma_start3A_134 = tpu.memref_slice %arg8[%run_scoped3A, %dma_start3A_132, %dma_start3A_133] : memref<2x8x128xi32, #tpu.memory_space<vmem>> -> memref<1x8x128xi32, #tpu.memory_space<vmem>>
      %dma_start3A_135 = tpu.memref_squeeze %dma_start3A_134 : memref<1x8x128xi32, #tpu.memory_space<vmem>> -> memref<8x128xi32, #tpu.memory_space<vmem>>
      %dma_start3A_136 = arith.constant 0 : i32
      %dma_start3A_137 = arith.constant 0 : i32
      %dma_start3A_138 = tpu.memref_slice %arg4[%add3A, %dma_start3A_136, %dma_start3A_137] : memref<32x80x128xi32, #tpu.memory_space<hbm>> -> memref<1x8x128xi32, #tpu.memory_space<hbm>>
      %dma_start3A_139 = tpu.memref_squeeze %dma_start3A_138 : memref<1x8x128xi32, #tpu.memory_space<hbm>> -> memref<8x128xi32, #tpu.memory_space<hbm>>
      tpu.enqueue_dma source(%dma_start3A_139 : memref<8x128xi32, #tpu.memory_space<hbm>>) target(%dma_start3A_135 : memref<8x128xi32, #tpu.memory_space<vmem>>) target_semaphore(%run_scoped3A_123 : memref<!tpu.dma_semaphore, #tpu.memory_space<semaphore_mem>>)
      %dma_wait3A_140 = arith.constant 0 : i32
      %dma_wait3A_141 = arith.constant 0 : i32
      %dma_wait3A_142 = tpu.memref_slice %arg8[%run_scoped3A, %dma_wait3A_140, %dma_wait3A_141] : memref<2x8x128xi32, #tpu.memory_space<vmem>> -> memref<1x8x128xi32, #tpu.memory_space<vmem>>
      %dma_wait3A_143 = tpu.memref_squeeze %dma_wait3A_142 : memref<1x8x128xi32, #tpu.memory_space<vmem>> -> memref<8x128xi32, #tpu.memory_space<vmem>>
      %dma_wait3A_144 = arith.constant 0 : i32
      %dma_wait3A_145 = arith.constant 0 : i32
      %dma_wait3A_146 = tpu.memref_slice %arg4[%add3A, %dma_wait3A_144, %dma_wait3A_145] : memref<32x80x128xi32, #tpu.memory_space<hbm>> -> memref<1x8x128xi32, #tpu.memory_space<hbm>>
      %dma_wait3A_147 = tpu.memref_squeeze %dma_wait3A_146 : memref<1x8x128xi32, #tpu.memory_space<hbm>> -> memref<8x128xi32, #tpu.memory_space<hbm>>
      %dma_wait3A_148 = arith.constant 0 : i32
      %dma_wait3A_149 = arith.constant 0 : i32
      %dma_wait3A_150 = tpu.memref_slice %arg8[%run_scoped3A, %dma_wait3A_148, %dma_wait3A_149] : memref<2x8x128xi32, #tpu.memory_space<vmem>> -> memref<1x8x128xi32, #tpu.memory_space<vmem>>
      %dma_wait3A_151 = tpu.memref_squeeze %dma_wait3A_150 : memref<1x8x128xi32, #tpu.memory_space<vmem>> -> memref<8x128xi32, #tpu.memory_space<vmem>>
      %dma_wait3A_152 = arith.constant 0 : i32
      %dma_wait3A_153 = arith.constant 0 : i32
      %dma_wait3A_154 = tpu.memref_slice %arg4[%add3A, %dma_wait3A_152, %dma_wait3A_153] : memref<32x80x128xi32, #tpu.memory_space<hbm>> -> memref<1x8x128xi32, #tpu.memory_space<hbm>>
      %dma_wait3A_155 = tpu.memref_squeeze %dma_wait3A_154 : memref<1x8x128xi32, #tpu.memory_space<hbm>> -> memref<8x128xi32, #tpu.memory_space<hbm>>
      tpu.wait_dma2 semaphore(%run_scoped3A_123 : memref<!tpu.dma_semaphore, #tpu.memory_space<semaphore_mem>>) src(%dma_wait3A_155 : memref<8x128xi32, #tpu.memory_space<hbm>>) dst(%dma_wait3A_151 : memref<8x128xi32, #tpu.memory_space<vmem>>)
      tpu.yield
    }) : () -> ()
    %dma_start3A = arith.constant 1 : i32
    %dma_start3A_21 = arith.constant 0 : i32
    %dma_start3A_22 = arith.constant 0 : i32
    %dma_start3A_23 = tpu.memref_slice %arg8[%dma_start3A, %dma_start3A_21, %dma_start3A_22] : memref<2x8x128xi32, #tpu.memory_space<vmem>> -> memref<1x8x128xi32, #tpu.memory_space<vmem>>
    %dma_start3A_24 = tpu.memref_squeeze %dma_start3A_23 : memref<1x8x128xi32, #tpu.memory_space<vmem>> -> memref<8x128xi32, #tpu.memory_space<vmem>>
    %dma_start3A_25 = arith.constant 8 : i32
    %dma_start3A_26 = arith.constant 0 : i32
    %dma_start3A_27 = tpu.memref_slice %arg4[%add3A, %dma_start3A_25, %dma_start3A_26] : memref<32x80x128xi32, #tpu.memory_space<hbm>> -> memref<1x8x128xi32, #tpu.memory_space<hbm>>
    %dma_start3A_28 = tpu.memref_squeeze %dma_start3A_27 : memref<1x8x128xi32, #tpu.memory_space<hbm>> -> memref<8x128xi32, #tpu.memory_space<hbm>>
    %dma_start3A_29 = arith.constant 0 : i32
    %dma_start3A_30 = arith.constant 0 : i32
    %dma_start3A_31 = tpu.memref_slice %arg8[%dma_start3A, %dma_start3A_29, %dma_start3A_30] : memref<2x8x128xi32, #tpu.memory_space<vmem>> -> memref<1x8x128xi32, #tpu.memory_space<vmem>>
    %dma_start3A_32 = tpu.memref_squeeze %dma_start3A_31 : memref<1x8x128xi32, #tpu.memory_space<vmem>> -> memref<8x128xi32, #tpu.memory_space<vmem>>
    %dma_start3A_33 = arith.constant 8 : i32
    %dma_start3A_34 = arith.constant 0 : i32
    %dma_start3A_35 = tpu.memref_slice %arg4[%add3A, %dma_start3A_33, %dma_start3A_34] : memref<32x80x128xi32, #tpu.memory_space<hbm>> -> memref<1x8x128xi32, #tpu.memory_space<hbm>>
    %dma_start3A_36 = tpu.memref_squeeze %dma_start3A_35 : memref<1x8x128xi32, #tpu.memory_space<hbm>> -> memref<8x128xi32, #tpu.memory_space<hbm>>
    tpu.enqueue_dma source(%dma_start3A_36 : memref<8x128xi32, #tpu.memory_space<hbm>>) target(%dma_start3A_32 : memref<8x128xi32, #tpu.memory_space<vmem>>) target_semaphore(%arg17 : memref<!tpu.dma_semaphore, #tpu.memory_space<semaphore_mem>>)
    %dma_start3A_37 = arith.constant 0 : i32
    %dma_start3A_38 = arith.constant 0 : i32
    %dma_start3A_39 = tpu.memref_slice %arg7[%dma_start3A_37, %dma_start3A_38] : memref<80x128xi32, #tpu.memory_space<vmem>> -> memref<1x128xi32, #tpu.memory_space<vmem>>
    %dma_start3A_40 = tpu.memref_squeeze %dma_start3A_39 : memref<1x128xi32, #tpu.memory_space<vmem>> -> memref<128xi32, #tpu.memory_space<vmem>>
    %dma_start3A_41 = arith.constant 0 : i32
    %dma_start3A_42 = arith.constant 0 : i32
    %dma_start3A_43 = tpu.memref_slice %arg2[%dma_start3A_41, %dma_start3A_42] : memref<10000x128xf32, #tpu.memory_space<hbm>> -> memref<10000x128xf32, #tpu.memory_space<hbm>>
    tpu.enqueue_indirect_dma source(%dma_start3A_43 : memref<10000x128xf32, #tpu.memory_space<hbm>>) target(%arg9 : memref<128x128xf32, #tpu.memory_space<vmem>>) offsets(%dma_start3A_40 : memref<128xi32, #tpu.memory_space<vmem>>) semaphore(%arg12 : memref<!tpu.dma_semaphore, #tpu.memory_space<semaphore_mem>>)
    %dma_start3A_44 = arith.constant 1 : i32
    %dma_start3A_45 = arith.constant 0 : i32
    %dma_start3A_46 = tpu.memref_slice %arg7[%dma_start3A_44, %dma_start3A_45] : memref<80x128xi32, #tpu.memory_space<vmem>> -> memref<1x128xi32, #tpu.memory_space<vmem>>
    %dma_start3A_47 = tpu.memref_squeeze %dma_start3A_46 : memref<1x128xi32, #tpu.memory_space<vmem>> -> memref<128xi32, #tpu.memory_space<vmem>>
    %dma_start3A_48 = arith.constant 0 : i32
    %dma_start3A_49 = arith.constant 0 : i32
    %dma_start3A_50 = tpu.memref_slice %arg2[%dma_start3A_48, %dma_start3A_49] : memref<10000x128xf32, #tpu.memory_space<hbm>> -> memref<10000x128xf32, #tpu.memory_space<hbm>>
    tpu.enqueue_indirect_dma source(%dma_start3A_50 : memref<10000x128xf32, #tpu.memory_space<hbm>>) target(%arg10 : memref<128x128xf32, #tpu.memory_space<vmem>>) offsets(%dma_start3A_47 : memref<128xi32, #tpu.memory_space<vmem>>) semaphore(%arg13 : memref<!tpu.dma_semaphore, #tpu.memory_space<semaphore_mem>>)
    %dma_wait3A = arith.constant 0 : i32
    %dma_wait3A_51 = arith.constant 0 : i32
    %dma_wait3A_52 = tpu.memref_slice %arg7[%dma_wait3A, %dma_wait3A_51] : memref<80x128xi32, #tpu.memory_space<vmem>> -> memref<1x128xi32, #tpu.memory_space<vmem>>
    %dma_wait3A_53 = tpu.memref_squeeze %dma_wait3A_52 : memref<1x128xi32, #tpu.memory_space<vmem>> -> memref<128xi32, #tpu.memory_space<vmem>>
    %dma_wait3A_54 = arith.constant 0 : i32
    %dma_wait3A_55 = arith.constant 0 : i32
    %dma_wait3A_56 = tpu.memref_slice %arg2[%dma_wait3A_54, %dma_wait3A_55] : memref<10000x128xf32, #tpu.memory_space<hbm>> -> memref<10000x128xf32, #tpu.memory_space<hbm>>
    tpu.wait_indirect_dma semaphore(%arg12 : memref<!tpu.dma_semaphore, #tpu.memory_space<semaphore_mem>>) src(%dma_wait3A_56 : memref<10000x128xf32, #tpu.memory_space<hbm>>) dst(%arg9 : memref<128x128xf32, #tpu.memory_space<vmem>>)
    %dma_start3A_57 = arith.constant 0 : i32
    %dma_start3A_58 = arith.constant 0 : i32
    %dma_start3A_59 = arith.constant 0 : i32
    %dma_start3A_60 = tpu.memref_slice %arg8[%dma_start3A_57, %dma_start3A_58, %dma_start3A_59] : memref<2x8x128xi32, #tpu.memory_space<vmem>> -> memref<1x1x128xi32, #tpu.memory_space<vmem>>
    %dma_start3A_61 = tpu.memref_squeeze %dma_start3A_60 : memref<1x1x128xi32, #tpu.memory_space<vmem>> -> memref<128xi32, #tpu.memory_space<vmem>>
    %dma_start3A_62 = arith.constant 0 : i32
    %dma_start3A_63 = arith.constant 0 : i32
    %dma_start3A_64 = tpu.memref_slice %arg11[%dma_start3A_62, %dma_start3A_63] : memref<10240x128xf32, #tpu.memory_space<vmem_shared>> -> memref<10240x128xf32, #tpu.memory_space<vmem_shared>>
    tpu.enqueue_indirect_dma source(%arg9 : memref<128x128xf32, #tpu.memory_space<vmem>>) target(%dma_start3A_64 : memref<10240x128xf32, #tpu.memory_space<vmem_shared>>) offsets(%dma_start3A_61 : memref<128xi32, #tpu.memory_space<vmem>>) semaphore(%arg14 : memref<!tpu.dma_semaphore, #tpu.memory_space<semaphore_mem>>) {add = true}
    %scan3A = arith.constant 0 : i32
    %scan3A_65 = arith.constant 0 : i32
    %scan3A_66 = arith.constant 39 : i32
    %scan3A_67 = arith.addi %scan3A_65, %scan3A_66 : i32
    %scan3A_68 = arith.constant 1 : i32
    scf.for %scan3A_123 = %scan3A_65 to %scan3A_67 step %scan3A_68  : i32 {
      %mul3A_124 = arith.constant 2 : i32
      %mul3A_125 = arith.muli %mul3A_124, %scan3A_123 : i32
      %add3A_126 = arith.constant 1 : i32
      %add3A_127 = arith.addi %mul3A_125, %add3A_126 : i32
      %dma_wait3A_128 = arith.constant 0 : i32
      %dma_wait3A_129 = arith.constant 0 : i32
      %dma_wait3A_130 = arith.constant 0 : i32
      %dma_wait3A_131 = tpu.memref_slice %arg8[%dma_wait3A_128, %dma_wait3A_129, %dma_wait3A_130] : memref<2x8x128xi32, #tpu.memory_space<vmem>> -> memref<1x1x128xi32, #tpu.memory_space<vmem>>
      %dma_wait3A_132 = tpu.memref_squeeze %dma_wait3A_131 : memref<1x1x128xi32, #tpu.memory_space<vmem>> -> memref<128xi32, #tpu.memory_space<vmem>>
      %dma_wait3A_133 = arith.constant 0 : i32
      %dma_wait3A_134 = arith.constant 0 : i32
      %dma_wait3A_135 = tpu.memref_slice %arg11[%dma_wait3A_133, %dma_wait3A_134] : memref<10240x128xf32, #tpu.memory_space<vmem_shared>> -> memref<10240x128xf32, #tpu.memory_space<vmem_shared>>
      tpu.wait_indirect_dma semaphore(%arg14 : memref<!tpu.dma_semaphore, #tpu.memory_space<semaphore_mem>>) src(%arg9 : memref<128x128xf32, #tpu.memory_space<vmem>>) dst(%dma_wait3A_135 : memref<10240x128xf32, #tpu.memory_space<vmem_shared>>)
      %add3A_136 = arith.constant 1 : i32
      %add3A_137 = arith.addi %add3A_127, %add3A_136 : i32
      %dma_start3A_138 = arith.constant 0 : i32
      %dma_start3A_139 = tpu.memref_slice %arg7[%add3A_137, %dma_start3A_138] : memref<80x128xi32, #tpu.memory_space<vmem>> -> memref<1x128xi32, #tpu.memory_space<vmem>>
      %dma_start3A_140 = tpu.memref_squeeze %dma_start3A_139 : memref<1x128xi32, #tpu.memory_space<vmem>> -> memref<128xi32, #tpu.memory_space<vmem>>
      %dma_start3A_141 = arith.constant 0 : i32
      %dma_start3A_142 = arith.constant 0 : i32
      %dma_start3A_143 = tpu.memref_slice %arg2[%dma_start3A_141, %dma_start3A_142] : memref<10000x128xf32, #tpu.memory_space<hbm>> -> memref<10000x128xf32, #tpu.memory_space<hbm>>
      tpu.enqueue_indirect_dma source(%dma_start3A_143 : memref<10000x128xf32, #tpu.memory_space<hbm>>) target(%arg9 : memref<128x128xf32, #tpu.memory_space<vmem>>) offsets(%dma_start3A_140 : memref<128xi32, #tpu.memory_space<vmem>>) semaphore(%arg12 : memref<!tpu.dma_semaphore, #tpu.memory_space<semaphore_mem>>)
      %dma_wait3A_144 = arith.constant 0 : i32
      %dma_wait3A_145 = arith.constant 0 : i32
      %dma_wait3A_146 = tpu.memref_slice %arg7[%dma_wait3A_144, %dma_wait3A_145] : memref<80x128xi32, #tpu.memory_space<vmem>> -> memref<1x128xi32, #tpu.memory_space<vmem>>
      %dma_wait3A_147 = tpu.memref_squeeze %dma_wait3A_146 : memref<1x128xi32, #tpu.memory_space<vmem>> -> memref<128xi32, #tpu.memory_space<vmem>>
      %dma_wait3A_148 = arith.constant 0 : i32
      %dma_wait3A_149 = arith.constant 0 : i32
      %dma_wait3A_150 = tpu.memref_slice %arg2[%dma_wait3A_148, %dma_wait3A_149] : memref<10000x128xf32, #tpu.memory_space<hbm>> -> memref<10000x128xf32, #tpu.memory_space<hbm>>
      tpu.wait_indirect_dma semaphore(%arg13 : memref<!tpu.dma_semaphore, #tpu.memory_space<semaphore_mem>>) src(%dma_wait3A_150 : memref<10000x128xf32, #tpu.memory_space<hbm>>) dst(%arg10 : memref<128x128xf32, #tpu.memory_space<vmem>>)
      %jit3A = arith.constant 8 : i32
      %div3A = arith.divsi %add3A_127, %jit3A : i32
      %sign3A = arith.constant 0 : i32
      %sign3A_151 = arith.cmpi sgt, %add3A_127, %sign3A : i32
      %sign3A_152 = arith.extui %sign3A_151 : i1 to i32
      %sign3A_153 = arith.constant 0 : i32
      %sign3A_154 = arith.cmpi slt, %add3A_127, %sign3A_153 : i32
      %sign3A_155 = arith.extui %sign3A_154 : i1 to i32
      %sign3A_156 = arith.subi %sign3A_152, %sign3A_155 : i32
      %sign3A_157 = arith.constant 0 : i32
      %sign3A_158 = arith.cmpi sgt, %jit3A, %sign3A_157 : i32
      %sign3A_159 = arith.extui %sign3A_158 : i1 to i32
      %sign3A_160 = arith.constant 0 : i32
      %sign3A_161 = arith.cmpi slt, %jit3A, %sign3A_160 : i32
      %sign3A_162 = arith.extui %sign3A_161 : i1 to i32
      %sign3A_163 = arith.subi %sign3A_159, %sign3A_162 : i32
      %ne3A = arith.cmpi ne, %sign3A_156, %sign3A_163 : i32
      %rem3A = arith.remsi %add3A_127, %jit3A : i32
      %ne3A_164 = arith.constant 0 : i32
      %ne3A_165 = arith.cmpi ne, %rem3A, %ne3A_164 : i32
      %and3A = arith.andi %ne3A, %ne3A_165 : i1
      %sub3A = arith.constant 1 : i32
      %sub3A_166 = arith.subi %div3A, %sub3A : i32
      %select_n3A = arith.select %and3A, %sub3A_166, %div3A : i32
      %jit3A_167 = arith.constant 2 : i32
      %eq3A = arith.constant 0 : i32
      %eq3A_168 = arith.cmpi eq, %jit3A_167, %eq3A : i32
      %jit3A_169 = arith.constant 1 : i32
      %select_n3A_170 = arith.select %eq3A_168, %jit3A_169, %jit3A_167 : i32
      %rem3A_171 = arith.remsi %select_n3A, %select_n3A_170 : i32
      %ne3A_172 = arith.constant 0 : i32
      %ne3A_173 = arith.cmpi ne, %rem3A_171, %ne3A_172 : i32
      %lt3A = arith.constant 0 : i32
      %lt3A_174 = arith.cmpi slt, %rem3A_171, %lt3A : i32
      %lt3A_175 = arith.constant 0 : i32
      %lt3A_176 = arith.cmpi slt, %select_n3A_170, %lt3A_175 : i32
      %ne3A_177 = arith.xori %lt3A_174, %lt3A_176 : i1
      %and3A_178 = arith.andi %ne3A_177, %ne3A_173 : i1
      %add3A_179 = arith.addi %rem3A_171, %select_n3A_170 : i32
      %select_n3A_180 = arith.select %and3A_178, %add3A_179, %rem3A_171 : i32
      %jit3A_181 = arith.constant 8 : i32
      %eq3A_182 = arith.constant 0 : i32
      %eq3A_183 = arith.cmpi eq, %jit3A_181, %eq3A_182 : i32
      %jit3A_184 = arith.constant 1 : i32
      %select_n3A_185 = arith.select %eq3A_183, %jit3A_184, %jit3A_181 : i32
      %rem3A_186 = arith.remsi %add3A_127, %select_n3A_185 : i32
      %ne3A_187 = arith.constant 0 : i32
      %ne3A_188 = arith.cmpi ne, %rem3A_186, %ne3A_187 : i32
      %lt3A_189 = arith.constant 0 : i32
      %lt3A_190 = arith.cmpi slt, %rem3A_186, %lt3A_189 : i32
      %lt3A_191 = arith.constant 0 : i32
      %lt3A_192 = arith.cmpi slt, %select_n3A_185, %lt3A_191 : i32
      %ne3A_193 = arith.xori %lt3A_190, %lt3A_192 : i1
      %and3A_194 = arith.andi %ne3A_193, %ne3A_188 : i1
      %add3A_195 = arith.addi %rem3A_186, %select_n3A_185 : i32
      %select_n3A_196 = arith.select %and3A_194, %add3A_195, %rem3A_186 : i32
      %dma_start3A_197 = arith.constant 0 : i32
      %dma_start3A_198 = tpu.memref_slice %arg8[%select_n3A_180, %select_n3A_196, %dma_start3A_197] : memref<2x8x128xi32, #tpu.memory_space<vmem>> -> memref<1x1x128xi32, #tpu.memory_space<vmem>>
      %dma_start3A_199 = tpu.memref_squeeze %dma_start3A_198 : memref<1x1x128xi32, #tpu.memory_space<vmem>> -> memref<128xi32, #tpu.memory_space<vmem>>
      %dma_start3A_200 = arith.constant 0 : i32
      %dma_start3A_201 = arith.constant 0 : i32
      %dma_start3A_202 = tpu.memref_slice %arg11[%dma_start3A_200, %dma_start3A_201] : memref<10240x128xf32, #tpu.memory_space<vmem_shared>> -> memref<10240x128xf32, #tpu.memory_space<vmem_shared>>
      tpu.enqueue_indirect_dma source(%arg10 : memref<128x128xf32, #tpu.memory_space<vmem>>) target(%dma_start3A_202 : memref<10240x128xf32, #tpu.memory_space<vmem_shared>>) offsets(%dma_start3A_199 : memref<128xi32, #tpu.memory_space<vmem>>) semaphore(%arg15 : memref<!tpu.dma_semaphore, #tpu.memory_space<semaphore_mem>>) {add = true}
      %add3A_203 = arith.constant 1 : i32
      %add3A_204 = arith.addi %add3A_127, %add3A_203 : i32
      %dma_wait3A_205 = arith.constant 0 : i32
      %dma_wait3A_206 = arith.constant 0 : i32
      %dma_wait3A_207 = arith.constant 0 : i32
      %dma_wait3A_208 = tpu.memref_slice %arg8[%dma_wait3A_205, %dma_wait3A_206, %dma_wait3A_207] : memref<2x8x128xi32, #tpu.memory_space<vmem>> -> memref<1x1x128xi32, #tpu.memory_space<vmem>>
      %dma_wait3A_209 = tpu.memref_squeeze %dma_wait3A_208 : memref<1x1x128xi32, #tpu.memory_space<vmem>> -> memref<128xi32, #tpu.memory_space<vmem>>
      %dma_wait3A_210 = arith.constant 0 : i32
      %dma_wait3A_211 = arith.constant 0 : i32
      %dma_wait3A_212 = tpu.memref_slice %arg11[%dma_wait3A_210, %dma_wait3A_211] : memref<10240x128xf32, #tpu.memory_space<vmem_shared>> -> memref<10240x128xf32, #tpu.memory_space<vmem_shared>>
      tpu.wait_indirect_dma semaphore(%arg15 : memref<!tpu.dma_semaphore, #tpu.memory_space<semaphore_mem>>) src(%arg10 : memref<128x128xf32, #tpu.memory_space<vmem>>) dst(%dma_wait3A_212 : memref<10240x128xf32, #tpu.memory_space<vmem_shared>>)
      %add3A_213 = arith.constant 1 : i32
      %add3A_214 = arith.addi %add3A_204, %add3A_213 : i32
      %dma_start3A_215 = arith.constant 0 : i32
      %dma_start3A_216 = tpu.memref_slice %arg7[%add3A_214, %dma_start3A_215] : memref<80x128xi32, #tpu.memory_space<vmem>> -> memref<1x128xi32, #tpu.memory_space<vmem>>
      %dma_start3A_217 = tpu.memref_squeeze %dma_start3A_216 : memref<1x128xi32, #tpu.memory_space<vmem>> -> memref<128xi32, #tpu.memory_space<vmem>>
      %dma_start3A_218 = arith.constant 0 : i32
      %dma_start3A_219 = arith.constant 0 : i32
      %dma_start3A_220 = tpu.memref_slice %arg2[%dma_start3A_218, %dma_start3A_219] : memref<10000x128xf32, #tpu.memory_space<hbm>> -> memref<10000x128xf32, #tpu.memory_space<hbm>>
      tpu.enqueue_indirect_dma source(%dma_start3A_220 : memref<10000x128xf32, #tpu.memory_space<hbm>>) target(%arg10 : memref<128x128xf32, #tpu.memory_space<vmem>>) offsets(%dma_start3A_217 : memref<128xi32, #tpu.memory_space<vmem>>) semaphore(%arg13 : memref<!tpu.dma_semaphore, #tpu.memory_space<semaphore_mem>>)
      %jit3A_221 = arith.constant 16 : i32
      %eq3A_222 = arith.constant 0 : i32
      %eq3A_223 = arith.cmpi eq, %jit3A_221, %eq3A_222 : i32
      %jit3A_224 = arith.constant 1 : i32
      %select_n3A_225 = arith.select %eq3A_223, %jit3A_224, %jit3A_221 : i32
      %rem3A_226 = arith.remsi %add3A_204, %select_n3A_225 : i32
      %ne3A_227 = arith.constant 0 : i32
      %ne3A_228 = arith.cmpi ne, %rem3A_226, %ne3A_227 : i32
      %lt3A_229 = arith.constant 0 : i32
      %lt3A_230 = arith.cmpi slt, %rem3A_226, %lt3A_229 : i32
      %lt3A_231 = arith.constant 0 : i32
      %lt3A_232 = arith.cmpi slt, %select_n3A_225, %lt3A_231 : i32
      %ne3A_233 = arith.xori %lt3A_230, %lt3A_232 : i1
      %and3A_234 = arith.andi %ne3A_233, %ne3A_228 : i1
      %add3A_235 = arith.addi %rem3A_226, %select_n3A_225 : i32
      %select_n3A_236 = arith.select %and3A_234, %add3A_235, %rem3A_226 : i32
      %eq3A_237 = arith.constant 8 : i32
      %eq3A_238 = arith.cmpi eq, %select_n3A_236, %eq3A_237 : i32
      %convert_element_type3A = arith.extui %eq3A_238 : i1 to i32
      %cond3A = arith.constant 0 : i32
      %cond3A_239 = arith.cmpi ne, %convert_element_type3A, %cond3A : i32
      scf.if %cond3A_239 {
        %jit3A_330 = arith.constant 8 : i32
        %div3A_331 = arith.divsi %add3A_204, %jit3A_330 : i32
        %sign3A_332 = arith.constant 0 : i32
        %sign3A_333 = arith.cmpi sgt, %add3A_204, %sign3A_332 : i32
        %sign3A_334 = arith.extui %sign3A_333 : i1 to i32
        %sign3A_335 = arith.constant 0 : i32
        %sign3A_336 = arith.cmpi slt, %add3A_204, %sign3A_335 : i32
        %sign3A_337 = arith.extui %sign3A_336 : i1 to i32
        %sign3A_338 = arith.subi %sign3A_334, %sign3A_337 : i32
        %sign3A_339 = arith.constant 0 : i32
        %sign3A_340 = arith.cmpi sgt, %jit3A_330, %sign3A_339 : i32
        %sign3A_341 = arith.extui %sign3A_340 : i1 to i32
        %sign3A_342 = arith.constant 0 : i32
        %sign3A_343 = arith.cmpi slt, %jit3A_330, %sign3A_342 : i32
        %sign3A_344 = arith.extui %sign3A_343 : i1 to i32
        %sign3A_345 = arith.subi %sign3A_341, %sign3A_344 : i32
        %ne3A_346 = arith.cmpi ne, %sign3A_338, %sign3A_345 : i32
        %rem3A_347 = arith.remsi %add3A_204, %jit3A_330 : i32
        %ne3A_348 = arith.constant 0 : i32
        %ne3A_349 = arith.cmpi ne, %rem3A_347, %ne3A_348 : i32
        %and3A_350 = arith.andi %ne3A_346, %ne3A_349 : i1
        %sub3A_351 = arith.constant 1 : i32
        %sub3A_352 = arith.subi %div3A_331, %sub3A_351 : i32
        %select_n3A_353 = arith.select %and3A_350, %sub3A_352, %div3A_331 : i32
        %dma_wait3A_354 = arith.constant 0 : i32
        %dma_wait3A_355 = arith.constant 0 : i32
        %dma_wait3A_356 = arith.constant 0 : i32
        %dma_wait3A_357 = tpu.memref_slice %arg8[%dma_wait3A_354, %dma_wait3A_355, %dma_wait3A_356] : memref<2x8x128xi32, #tpu.memory_space<vmem>> -> memref<1x8x128xi32, #tpu.memory_space<vmem>>
        %dma_wait3A_358 = tpu.memref_squeeze %dma_wait3A_357 : memref<1x8x128xi32, #tpu.memory_space<vmem>> -> memref<8x128xi32, #tpu.memory_space<vmem>>
        %dma_wait3A_359 = arith.constant 0 : i32
        %dma_wait3A_360 = arith.constant 0 : i32
        %dma_wait3A_361 = tpu.memref_slice %arg4[%add3A, %dma_wait3A_359, %dma_wait3A_360] : memref<32x80x128xi32, #tpu.memory_space<hbm>> -> memref<1x8x128xi32, #tpu.memory_space<hbm>>
        %dma_wait3A_362 = tpu.memref_squeeze %dma_wait3A_361 : memref<1x8x128xi32, #tpu.memory_space<hbm>> -> memref<8x128xi32, #tpu.memory_space<hbm>>
        %dma_wait3A_363 = arith.constant 0 : i32
        %dma_wait3A_364 = arith.constant 0 : i32
        %dma_wait3A_365 = tpu.memref_slice %arg8[%dma_wait3A_354, %dma_wait3A_363, %dma_wait3A_364] : memref<2x8x128xi32, #tpu.memory_space<vmem>> -> memref<1x8x128xi32, #tpu.memory_space<vmem>>
        %dma_wait3A_366 = tpu.memref_squeeze %dma_wait3A_365 : memref<1x8x128xi32, #tpu.memory_space<vmem>> -> memref<8x128xi32, #tpu.memory_space<vmem>>
        %dma_wait3A_367 = arith.constant 0 : i32
        %dma_wait3A_368 = arith.constant 0 : i32
        %dma_wait3A_369 = tpu.memref_slice %arg4[%add3A, %dma_wait3A_367, %dma_wait3A_368] : memref<32x80x128xi32, #tpu.memory_space<hbm>> -> memref<1x8x128xi32, #tpu.memory_space<hbm>>
        %dma_wait3A_370 = tpu.memref_squeeze %dma_wait3A_369 : memref<1x8x128xi32, #tpu.memory_space<hbm>> -> memref<8x128xi32, #tpu.memory_space<hbm>>
        tpu.wait_dma2 semaphore(%arg17 : memref<!tpu.dma_semaphore, #tpu.memory_space<semaphore_mem>>) src(%dma_wait3A_370 : memref<8x128xi32, #tpu.memory_space<hbm>>) dst(%dma_wait3A_366 : memref<8x128xi32, #tpu.memory_space<vmem>>)
        %add3A_371 = arith.constant 1 : i32
        %add3A_372 = arith.addi %select_n3A_353, %add3A_371 : i32
        %min3A = arith.constant 9 : i32
        %min3A_373 = arith.minsi %add3A_372, %min3A : i32
        %mul3A_374 = arith.constant 8 : i32
        %mul3A_375 = arith.muli %min3A_373, %mul3A_374 : i32
        %dma_start3A_376 = arith.constant 0 : i32
        %dma_start3A_377 = arith.constant 0 : i32
        %dma_start3A_378 = arith.constant 0 : i32
        %dma_start3A_379 = tpu.memref_slice %arg8[%dma_start3A_376, %dma_start3A_377, %dma_start3A_378] : memref<2x8x128xi32, #tpu.memory_space<vmem>> -> memref<1x8x128xi32, #tpu.memory_space<vmem>>
        %dma_start3A_380 = tpu.memref_squeeze %dma_start3A_379 : memref<1x8x128xi32, #tpu.memory_space<vmem>> -> memref<8x128xi32, #tpu.memory_space<vmem>>
        %dma_start3A_381 = arith.constant 0 : i32
        %dma_start3A_382 = tpu.memref_slice %arg4[%add3A, %mul3A_375, %dma_start3A_381] : memref<32x80x128xi32, #tpu.memory_space<hbm>> -> memref<1x8x128xi32, #tpu.memory_space<hbm>>
        %dma_start3A_383 = tpu.memref_squeeze %dma_start3A_382 : memref<1x8x128xi32, #tpu.memory_space<hbm>> -> memref<8x128xi32, #tpu.memory_space<hbm>>
        %dma_start3A_384 = arith.constant 0 : i32
        %dma_start3A_385 = arith.constant 0 : i32
        %dma_start3A_386 = tpu.memref_slice %arg8[%dma_start3A_376, %dma_start3A_384, %dma_start3A_385] : memref<2x8x128xi32, #tpu.memory_space<vmem>> -> memref<1x8x128xi32, #tpu.memory_space<vmem>>
        %dma_start3A_387 = tpu.memref_squeeze %dma_start3A_386 : memref<1x8x128xi32, #tpu.memory_space<vmem>> -> memref<8x128xi32, #tpu.memory_space<vmem>>
        %dma_start3A_388 = arith.constant 0 : i32
        %dma_start3A_389 = tpu.memref_slice %arg4[%add3A, %mul3A_375, %dma_start3A_388] : memref<32x80x128xi32, #tpu.memory_space<hbm>> -> memref<1x8x128xi32, #tpu.memory_space<hbm>>
        %dma_start3A_390 = tpu.memref_squeeze %dma_start3A_389 : memref<1x8x128xi32, #tpu.memory_space<hbm>> -> memref<8x128xi32, #tpu.memory_space<hbm>>
        tpu.enqueue_dma source(%dma_start3A_390 : memref<8x128xi32, #tpu.memory_space<hbm>>) target(%dma_start3A_387 : memref<8x128xi32, #tpu.memory_space<vmem>>) target_semaphore(%arg16 : memref<!tpu.dma_semaphore, #tpu.memory_space<semaphore_mem>>)
      } else {
      }
      %jit3A_240 = arith.constant 16 : i32
      %eq3A_241 = arith.constant 0 : i32
      %eq3A_242 = arith.cmpi eq, %jit3A_240, %eq3A_241 : i32
      %jit3A_243 = arith.constant 1 : i32
      %select_n3A_244 = arith.select %eq3A_242, %jit3A_243, %jit3A_240 : i32
      %rem3A_245 = arith.remsi %add3A_204, %select_n3A_244 : i32
      %ne3A_246 = arith.constant 0 : i32
      %ne3A_247 = arith.cmpi ne, %rem3A_245, %ne3A_246 : i32
      %lt3A_248 = arith.constant 0 : i32
      %lt3A_249 = arith.cmpi slt, %rem3A_245, %lt3A_248 : i32
      %lt3A_250 = arith.constant 0 : i32
      %lt3A_251 = arith.cmpi slt, %select_n3A_244, %lt3A_250 : i32
      %ne3A_252 = arith.xori %lt3A_249, %lt3A_251 : i1
      %and3A_253 = arith.andi %ne3A_252, %ne3A_247 : i1
      %add3A_254 = arith.addi %rem3A_245, %select_n3A_244 : i32
      %select_n3A_255 = arith.select %and3A_253, %add3A_254, %rem3A_245 : i32
      %eq3A_256 = arith.constant 0 : i32
      %eq3A_257 = arith.cmpi eq, %select_n3A_255, %eq3A_256 : i32
      %convert_element_type3A_258 = arith.extui %eq3A_257 : i1 to i32
      %cond3A_259 = arith.constant 0 : i32
      %cond3A_260 = arith.cmpi ne, %convert_element_type3A_258, %cond3A_259 : i32
      scf.if %cond3A_260 {
        %jit3A_330 = arith.constant 8 : i32
        %div3A_331 = arith.divsi %add3A_204, %jit3A_330 : i32
        %sign3A_332 = arith.constant 0 : i32
        %sign3A_333 = arith.cmpi sgt, %add3A_204, %sign3A_332 : i32
        %sign3A_334 = arith.extui %sign3A_333 : i1 to i32
        %sign3A_335 = arith.constant 0 : i32
        %sign3A_336 = arith.cmpi slt, %add3A_204, %sign3A_335 : i32
        %sign3A_337 = arith.extui %sign3A_336 : i1 to i32
        %sign3A_338 = arith.subi %sign3A_334, %sign3A_337 : i32
        %sign3A_339 = arith.constant 0 : i32
        %sign3A_340 = arith.cmpi sgt, %jit3A_330, %sign3A_339 : i32
        %sign3A_341 = arith.extui %sign3A_340 : i1 to i32
        %sign3A_342 = arith.constant 0 : i32
        %sign3A_343 = arith.cmpi slt, %jit3A_330, %sign3A_342 : i32
        %sign3A_344 = arith.extui %sign3A_343 : i1 to i32
        %sign3A_345 = arith.subi %sign3A_341, %sign3A_344 : i32
        %ne3A_346 = arith.cmpi ne, %sign3A_338, %sign3A_345 : i32
        %rem3A_347 = arith.remsi %add3A_204, %jit3A_330 : i32
        %ne3A_348 = arith.constant 0 : i32
        %ne3A_349 = arith.cmpi ne, %rem3A_347, %ne3A_348 : i32
        %and3A_350 = arith.andi %ne3A_346, %ne3A_349 : i1
        %sub3A_351 = arith.constant 1 : i32
        %sub3A_352 = arith.subi %div3A_331, %sub3A_351 : i32
        %select_n3A_353 = arith.select %and3A_350, %sub3A_352, %div3A_331 : i32
        %dma_wait3A_354 = arith.constant 0 : i32
        %dma_wait3A_355 = arith.constant 0 : i32
        %dma_wait3A_356 = arith.constant 0 : i32
        %dma_wait3A_357 = tpu.memref_slice %arg8[%dma_wait3A_354, %dma_wait3A_355, %dma_wait3A_356] : memref<2x8x128xi32, #tpu.memory_space<vmem>> -> memref<1x8x128xi32, #tpu.memory_space<vmem>>
        %dma_wait3A_358 = tpu.memref_squeeze %dma_wait3A_357 : memref<1x8x128xi32, #tpu.memory_space<vmem>> -> memref<8x128xi32, #tpu.memory_space<vmem>>
        %dma_wait3A_359 = arith.constant 0 : i32
        %dma_wait3A_360 = arith.constant 0 : i32
        %dma_wait3A_361 = tpu.memref_slice %arg4[%add3A, %dma_wait3A_359, %dma_wait3A_360] : memref<32x80x128xi32, #tpu.memory_space<hbm>> -> memref<1x8x128xi32, #tpu.memory_space<hbm>>
        %dma_wait3A_362 = tpu.memref_squeeze %dma_wait3A_361 : memref<1x8x128xi32, #tpu.memory_space<hbm>> -> memref<8x128xi32, #tpu.memory_space<hbm>>
        %dma_wait3A_363 = arith.constant 0 : i32
        %dma_wait3A_364 = arith.constant 0 : i32
        %dma_wait3A_365 = tpu.memref_slice %arg8[%dma_wait3A_354, %dma_wait3A_363, %dma_wait3A_364] : memref<2x8x128xi32, #tpu.memory_space<vmem>> -> memref<1x8x128xi32, #tpu.memory_space<vmem>>
        %dma_wait3A_366 = tpu.memref_squeeze %dma_wait3A_365 : memref<1x8x128xi32, #tpu.memory_space<vmem>> -> memref<8x128xi32, #tpu.memory_space<vmem>>
        %dma_wait3A_367 = arith.constant 0 : i32
        %dma_wait3A_368 = arith.constant 0 : i32
        %dma_wait3A_369 = tpu.memref_slice %arg4[%add3A, %dma_wait3A_367, %dma_wait3A_368] : memref<32x80x128xi32, #tpu.memory_space<hbm>> -> memref<1x8x128xi32, #tpu.memory_space<hbm>>
        %dma_wait3A_370 = tpu.memref_squeeze %dma_wait3A_369 : memref<1x8x128xi32, #tpu.memory_space<hbm>> -> memref<8x128xi32, #tpu.memory_space<hbm>>
        tpu.wait_dma2 semaphore(%arg16 : memref<!tpu.dma_semaphore, #tpu.memory_space<semaphore_mem>>) src(%dma_wait3A_370 : memref<8x128xi32, #tpu.memory_space<hbm>>) dst(%dma_wait3A_366 : memref<8x128xi32, #tpu.memory_space<vmem>>)
        %add3A_371 = arith.constant 1 : i32
        %add3A_372 = arith.addi %select_n3A_353, %add3A_371 : i32
        %min3A = arith.constant 9 : i32
        %min3A_373 = arith.minsi %add3A_372, %min3A : i32
        %mul3A_374 = arith.constant 8 : i32
        %mul3A_375 = arith.muli %min3A_373, %mul3A_374 : i32
        %dma_start3A_376 = arith.constant 1 : i32
        %dma_start3A_377 = arith.constant 0 : i32
        %dma_start3A_378 = arith.constant 0 : i32
        %dma_start3A_379 = tpu.memref_slice %arg8[%dma_start3A_376, %dma_start3A_377, %dma_start3A_378] : memref<2x8x128xi32, #tpu.memory_space<vmem>> -> memref<1x8x128xi32, #tpu.memory_space<vmem>>
        %dma_start3A_380 = tpu.memref_squeeze %dma_start3A_379 : memref<1x8x128xi32, #tpu.memory_space<vmem>> -> memref<8x128xi32, #tpu.memory_space<vmem>>
        %dma_start3A_381 = arith.constant 0 : i32
        %dma_start3A_382 = tpu.memref_slice %arg4[%add3A, %mul3A_375, %dma_start3A_381] : memref<32x80x128xi32, #tpu.memory_space<hbm>> -> memref<1x8x128xi32, #tpu.memory_space<hbm>>
        %dma_start3A_383 = tpu.memref_squeeze %dma_start3A_382 : memref<1x8x128xi32, #tpu.memory_space<hbm>> -> memref<8x128xi32, #tpu.memory_space<hbm>>
        %dma_start3A_384 = arith.constant 0 : i32
        %dma_start3A_385 = arith.constant 0 : i32
        %dma_start3A_386 = tpu.memref_slice %arg8[%dma_start3A_376, %dma_start3A_384, %dma_start3A_385] : memref<2x8x128xi32, #tpu.memory_space<vmem>> -> memref<1x8x128xi32, #tpu.memory_space<vmem>>
        %dma_start3A_387 = tpu.memref_squeeze %dma_start3A_386 : memref<1x8x128xi32, #tpu.memory_space<vmem>> -> memref<8x128xi32, #tpu.memory_space<vmem>>
        %dma_start3A_388 = arith.constant 0 : i32
        %dma_start3A_389 = tpu.memref_slice %arg4[%add3A, %mul3A_375, %dma_start3A_388] : memref<32x80x128xi32, #tpu.memory_space<hbm>> -> memref<1x8x128xi32, #tpu.memory_space<hbm>>
        %dma_start3A_390 = tpu.memref_squeeze %dma_start3A_389 : memref<1x8x128xi32, #tpu.memory_space<hbm>> -> memref<8x128xi32, #tpu.memory_space<hbm>>
        tpu.enqueue_dma source(%dma_start3A_390 : memref<8x128xi32, #tpu.memory_space<hbm>>) target(%dma_start3A_387 : memref<8x128xi32, #tpu.memory_space<vmem>>) target_semaphore(%arg17 : memref<!tpu.dma_semaphore, #tpu.memory_space<semaphore_mem>>)
      } else {
      }
      %dma_wait3A_261 = arith.constant 0 : i32
      %dma_wait3A_262 = arith.constant 0 : i32
      %dma_wait3A_263 = tpu.memref_slice %arg7[%dma_wait3A_261, %dma_wait3A_262] : memref<80x128xi32, #tpu.memory_space<vmem>> -> memref<1x128xi32, #tpu.memory_space<vmem>>
      %dma_wait3A_264 = tpu.memref_squeeze %dma_wait3A_263 : memref<1x128xi32, #tpu.memory_space<vmem>> -> memref<128xi32, #tpu.memory_space<vmem>>
      %dma_wait3A_265 = arith.constant 0 : i32
      %dma_wait3A_266 = arith.constant 0 : i32
      %dma_wait3A_267 = tpu.memref_slice %arg2[%dma_wait3A_265, %dma_wait3A_266] : memref<10000x128xf32, #tpu.memory_space<hbm>> -> memref<10000x128xf32, #tpu.memory_space<hbm>>
      tpu.wait_indirect_dma semaphore(%arg12 : memref<!tpu.dma_semaphore, #tpu.memory_space<semaphore_mem>>) src(%dma_wait3A_267 : memref<10000x128xf32, #tpu.memory_space<hbm>>) dst(%arg9 : memref<128x128xf32, #tpu.memory_space<vmem>>)
      %jit3A_268 = arith.constant 8 : i32
      %div3A_269 = arith.divsi %add3A_204, %jit3A_268 : i32
      %sign3A_270 = arith.constant 0 : i32
      %sign3A_271 = arith.cmpi sgt, %add3A_204, %sign3A_270 : i32
      %sign3A_272 = arith.extui %sign3A_271 : i1 to i32
      %sign3A_273 = arith.constant 0 : i32
      %sign3A_274 = arith.cmpi slt, %add3A_204, %sign3A_273 : i32
      %sign3A_275 = arith.extui %sign3A_274 : i1 to i32
      %sign3A_276 = arith.subi %sign3A_272, %sign3A_275 : i32
      %sign3A_277 = arith.constant 0 : i32
      %sign3A_278 = arith.cmpi sgt, %jit3A_268, %sign3A_277 : i32
      %sign3A_279 = arith.extui %sign3A_278 : i1 to i32
      %sign3A_280 = arith.constant 0 : i32
      %sign3A_281 = arith.cmpi slt, %jit3A_268, %sign3A_280 : i32
      %sign3A_282 = arith.extui %sign3A_281 : i1 to i32
      %sign3A_283 = arith.subi %sign3A_279, %sign3A_282 : i32
      %ne3A_284 = arith.cmpi ne, %sign3A_276, %sign3A_283 : i32
      %rem3A_285 = arith.remsi %add3A_204, %jit3A_268 : i32
      %ne3A_286 = arith.constant 0 : i32
      %ne3A_287 = arith.cmpi ne, %rem3A_285, %ne3A_286 : i32
      %and3A_288 = arith.andi %ne3A_284, %ne3A_287 : i1
      %sub3A_289 = arith.constant 1 : i32
      %sub3A_290 = arith.subi %div3A_269, %sub3A_289 : i32
      %select_n3A_291 = arith.select %and3A_288, %sub3A_290, %div3A_269 : i32
      %jit3A_292 = arith.constant 2 : i32
      %eq3A_293 = arith.constant 0 : i32
      %eq3A_294 = arith.cmpi eq, %jit3A_292, %eq3A_293 : i32
      %jit3A_295 = arith.constant 1 : i32
      %select_n3A_296 = arith.select %eq3A_294, %jit3A_295, %jit3A_292 : i32
      %rem3A_297 = arith.remsi %select_n3A_291, %select_n3A_296 : i32
      %ne3A_298 = arith.constant 0 : i32
      %ne3A_299 = arith.cmpi ne, %rem3A_297, %ne3A_298 : i32
      %lt3A_300 = arith.constant 0 : i32
      %lt3A_301 = arith.cmpi slt, %rem3A_297, %lt3A_300 : i32
      %lt3A_302 = arith.constant 0 : i32
      %lt3A_303 = arith.cmpi slt, %select_n3A_296, %lt3A_302 : i32
      %ne3A_304 = arith.xori %lt3A_301, %lt3A_303 : i1
      %and3A_305 = arith.andi %ne3A_304, %ne3A_299 : i1
      %add3A_306 = arith.addi %rem3A_297, %select_n3A_296 : i32
      %select_n3A_307 = arith.select %and3A_305, %add3A_306, %rem3A_297 : i32
      %jit3A_308 = arith.constant 8 : i32
      %eq3A_309 = arith.constant 0 : i32
      %eq3A_310 = arith.cmpi eq, %jit3A_308, %eq3A_309 : i32
      %jit3A_311 = arith.constant 1 : i32
      %select_n3A_312 = arith.select %eq3A_310, %jit3A_311, %jit3A_308 : i32
      %rem3A_313 = arith.remsi %add3A_204, %select_n3A_312 : i32
      %ne3A_314 = arith.constant 0 : i32
      %ne3A_315 = arith.cmpi ne, %rem3A_313, %ne3A_314 : i32
      %lt3A_316 = arith.constant 0 : i32
      %lt3A_317 = arith.cmpi slt, %rem3A_313, %lt3A_316 : i32
      %lt3A_318 = arith.constant 0 : i32
      %lt3A_319 = arith.cmpi slt, %select_n3A_312, %lt3A_318 : i32
      %ne3A_320 = arith.xori %lt3A_317, %lt3A_319 : i1
      %and3A_321 = arith.andi %ne3A_320, %ne3A_315 : i1
      %add3A_322 = arith.addi %rem3A_313, %select_n3A_312 : i32
      %select_n3A_323 = arith.select %and3A_321, %add3A_322, %rem3A_313 : i32
      %dma_start3A_324 = arith.constant 0 : i32
      %dma_start3A_325 = tpu.memref_slice %arg8[%select_n3A_307, %select_n3A_323, %dma_start3A_324] : memref<2x8x128xi32, #tpu.memory_space<vmem>> -> memref<1x1x128xi32, #tpu.memory_space<vmem>>
      %dma_start3A_326 = tpu.memref_squeeze %dma_start3A_325 : memref<1x1x128xi32, #tpu.memory_space<vmem>> -> memref<128xi32, #tpu.memory_space<vmem>>
      %dma_start3A_327 = arith.constant 0 : i32
      %dma_start3A_328 = arith.constant 0 : i32
      %dma_start3A_329 = tpu.memref_slice %arg11[%dma_start3A_327, %dma_start3A_328] : memref<10240x128xf32, #tpu.memory_space<vmem_shared>> -> memref<10240x128xf32, #tpu.memory_space<vmem_shared>>
      tpu.enqueue_indirect_dma source(%arg9 : memref<128x128xf32, #tpu.memory_space<vmem>>) target(%dma_start3A_329 : memref<10240x128xf32, #tpu.memory_space<vmem_shared>>) offsets(%dma_start3A_326 : memref<128xi32, #tpu.memory_space<vmem>>) semaphore(%arg14 : memref<!tpu.dma_semaphore, #tpu.memory_space<semaphore_mem>>) {add = true}
    }
    %scan3A_69 = arith.constant 39 : i32
    %dma_wait3A_70 = arith.constant 0 : i32
    %dma_wait3A_71 = arith.constant 0 : i32
    %dma_wait3A_72 = tpu.memref_slice %arg7[%dma_wait3A_70, %dma_wait3A_71] : memref<80x128xi32, #tpu.memory_space<vmem>> -> memref<1x128xi32, #tpu.memory_space<vmem>>
    %dma_wait3A_73 = tpu.memref_squeeze %dma_wait3A_72 : memref<1x128xi32, #tpu.memory_space<vmem>> -> memref<128xi32, #tpu.memory_space<vmem>>
    %dma_wait3A_74 = arith.constant 0 : i32
    %dma_wait3A_75 = arith.constant 0 : i32
    %dma_wait3A_76 = tpu.memref_slice %arg2[%dma_wait3A_74, %dma_wait3A_75] : memref<10000x128xf32, #tpu.memory_space<hbm>> -> memref<10000x128xf32, #tpu.memory_space<hbm>>
    tpu.wait_indirect_dma semaphore(%arg13 : memref<!tpu.dma_semaphore, #tpu.memory_space<semaphore_mem>>) src(%dma_wait3A_76 : memref<10000x128xf32, #tpu.memory_space<hbm>>) dst(%arg10 : memref<128x128xf32, #tpu.memory_space<vmem>>)
    %dma_wait3A_77 = arith.constant 0 : i32
    %dma_wait3A_78 = arith.constant 0 : i32
    %dma_wait3A_79 = arith.constant 0 : i32
    %dma_wait3A_80 = tpu.memref_slice %arg8[%dma_wait3A_77, %dma_wait3A_78, %dma_wait3A_79] : memref<2x8x128xi32, #tpu.memory_space<vmem>> -> memref<1x1x128xi32, #tpu.memory_space<vmem>>
    %dma_wait3A_81 = tpu.memref_squeeze %dma_wait3A_80 : memref<1x1x128xi32, #tpu.memory_space<vmem>> -> memref<128xi32, #tpu.memory_space<vmem>>
    %dma_wait3A_82 = arith.constant 0 : i32
    %dma_wait3A_83 = arith.constant 0 : i32
    %dma_wait3A_84 = tpu.memref_slice %arg11[%dma_wait3A_82, %dma_wait3A_83] : memref<10240x128xf32, #tpu.memory_space<vmem_shared>> -> memref<10240x128xf32, #tpu.memory_space<vmem_shared>>
    tpu.wait_indirect_dma semaphore(%arg14 : memref<!tpu.dma_semaphore, #tpu.memory_space<semaphore_mem>>) src(%arg9 : memref<128x128xf32, #tpu.memory_space<vmem>>) dst(%dma_wait3A_84 : memref<10240x128xf32, #tpu.memory_space<vmem_shared>>)
    %dma_start3A_85 = arith.constant 1 : i32
    %dma_start3A_86 = arith.constant 7 : i32
    %dma_start3A_87 = arith.constant 0 : i32
    %dma_start3A_88 = tpu.memref_slice %arg8[%dma_start3A_85, %dma_start3A_86, %dma_start3A_87] : memref<2x8x128xi32, #tpu.memory_space<vmem>> -> memref<1x1x128xi32, #tpu.memory_space<vmem>>
    %dma_start3A_89 = tpu.memref_squeeze %dma_start3A_88 : memref<1x1x128xi32, #tpu.memory_space<vmem>> -> memref<128xi32, #tpu.memory_space<vmem>>
    %dma_start3A_90 = arith.constant 0 : i32
    %dma_start3A_91 = arith.constant 0 : i32
    %dma_start3A_92 = tpu.memref_slice %arg11[%dma_start3A_90, %dma_start3A_91] : memref<10240x128xf32, #tpu.memory_space<vmem_shared>> -> memref<10240x128xf32, #tpu.memory_space<vmem_shared>>
    tpu.enqueue_indirect_dma source(%arg10 : memref<128x128xf32, #tpu.memory_space<vmem>>) target(%dma_start3A_92 : memref<10240x128xf32, #tpu.memory_space<vmem_shared>>) offsets(%dma_start3A_89 : memref<128xi32, #tpu.memory_space<vmem>>) semaphore(%arg15 : memref<!tpu.dma_semaphore, #tpu.memory_space<semaphore_mem>>) {add = true}
    %dma_wait3A_93 = arith.constant 0 : i32
    %dma_wait3A_94 = arith.constant 0 : i32
    %dma_wait3A_95 = arith.constant 0 : i32
    %dma_wait3A_96 = tpu.memref_slice %arg8[%dma_wait3A_93, %dma_wait3A_94, %dma_wait3A_95] : memref<2x8x128xi32, #tpu.memory_space<vmem>> -> memref<1x1x128xi32, #tpu.memory_space<vmem>>
    %dma_wait3A_97 = tpu.memref_squeeze %dma_wait3A_96 : memref<1x1x128xi32, #tpu.memory_space<vmem>> -> memref<128xi32, #tpu.memory_space<vmem>>
    %dma_wait3A_98 = arith.constant 0 : i32
    %dma_wait3A_99 = arith.constant 0 : i32
    %dma_wait3A_100 = tpu.memref_slice %arg11[%dma_wait3A_98, %dma_wait3A_99] : memref<10240x128xf32, #tpu.memory_space<vmem_shared>> -> memref<10240x128xf32, #tpu.memory_space<vmem_shared>>
    tpu.wait_indirect_dma semaphore(%arg15 : memref<!tpu.dma_semaphore, #tpu.memory_space<semaphore_mem>>) src(%arg10 : memref<128x128xf32, #tpu.memory_space<vmem>>) dst(%dma_wait3A_100 : memref<10240x128xf32, #tpu.memory_space<vmem_shared>>)
    %dma_wait3A_101 = arith.constant 0 : i32
    %dma_wait3A_102 = arith.constant 0 : i32
    %dma_wait3A_103 = arith.constant 0 : i32
    %dma_wait3A_104 = tpu.memref_slice %arg8[%dma_wait3A_101, %dma_wait3A_102, %dma_wait3A_103] : memref<2x8x128xi32, #tpu.memory_space<vmem>> -> memref<1x8x128xi32, #tpu.memory_space<vmem>>
    %dma_wait3A_105 = tpu.memref_squeeze %dma_wait3A_104 : memref<1x8x128xi32, #tpu.memory_space<vmem>> -> memref<8x128xi32, #tpu.memory_space<vmem>>
    %dma_wait3A_106 = arith.constant 0 : i32
    %dma_wait3A_107 = arith.constant 0 : i32
    %dma_wait3A_108 = tpu.memref_slice %arg4[%add3A, %dma_wait3A_106, %dma_wait3A_107] : memref<32x80x128xi32, #tpu.memory_space<hbm>> -> memref<1x8x128xi32, #tpu.memory_space<hbm>>
    %dma_wait3A_109 = tpu.memref_squeeze %dma_wait3A_108 : memref<1x8x128xi32, #tpu.memory_space<hbm>> -> memref<8x128xi32, #tpu.memory_space<hbm>>
    %dma_wait3A_110 = arith.constant 0 : i32
    %dma_wait3A_111 = arith.constant 0 : i32
    %dma_wait3A_112 = tpu.memref_slice %arg8[%dma_wait3A_101, %dma_wait3A_110, %dma_wait3A_111] : memref<2x8x128xi32, #tpu.memory_space<vmem>> -> memref<1x8x128xi32, #tpu.memory_space<vmem>>
    %dma_wait3A_113 = tpu.memref_squeeze %dma_wait3A_112 : memref<1x8x128xi32, #tpu.memory_space<vmem>> -> memref<8x128xi32, #tpu.memory_space<vmem>>
    %dma_wait3A_114 = arith.constant 0 : i32
    %dma_wait3A_115 = arith.constant 0 : i32
    %dma_wait3A_116 = tpu.memref_slice %arg4[%add3A, %dma_wait3A_114, %dma_wait3A_115] : memref<32x80x128xi32, #tpu.memory_space<hbm>> -> memref<1x8x128xi32, #tpu.memory_space<hbm>>
    %dma_wait3A_117 = tpu.memref_squeeze %dma_wait3A_116 : memref<1x8x128xi32, #tpu.memory_space<hbm>> -> memref<8x128xi32, #tpu.memory_space<hbm>>
    tpu.wait_dma2 semaphore(%arg16 : memref<!tpu.dma_semaphore, #tpu.memory_space<semaphore_mem>>) src(%dma_wait3A_117 : memref<8x128xi32, #tpu.memory_space<hbm>>) dst(%dma_wait3A_113 : memref<8x128xi32, #tpu.memory_space<vmem>>)
    %barrier3A_118 = arith.constant 0 : index
    tpu.barrier barrier_id(%barrier3A_118)
    %mul3A_119 = arith.constant 640 : i32
    %mul3A_120 = arith.muli %arg1, %mul3A_119 : i32
    %mul3A_121 = arith.constant 640 : i32
    %mul3A_122 = arith.muli %arg1, %mul3A_121 : i32
    "tpu.region"() ({
      %run_scoped3A_123 = tpu.sem_alloc : memref<!tpu.dma_semaphore, #tpu.memory_space<semaphore_mem>>
      %dma_start3A_124 = arith.constant 0 : i32
      %dma_start3A_125 = arith.constant 0 : i32
      %dma_start3A_126 = tpu.memref_slice %arg6[%arg0, %dma_start3A_124, %dma_start3A_125] : memref<2x10240x128xf32, #tpu.memory_space<hbm>> -> memref<1x10240x128xf32, #tpu.memory_space<hbm>>
      %dma_start3A_127 = tpu.memref_squeeze %dma_start3A_126 : memref<1x10240x128xf32, #tpu.memory_space<hbm>> -> memref<10240x128xf32, #tpu.memory_space<hbm>>
      %dma_start3A_128 = arith.constant 0 : i32
      %dma_start3A_129 = tpu.memref_slice %dma_start3A_127[%mul3A_122, %dma_start3A_128] : memref<10240x128xf32, #tpu.memory_space<hbm>> -> memref<640x128xf32, #tpu.memory_space<hbm>>
      %dma_start3A_130 = arith.constant 0 : i32
      %dma_start3A_131 = tpu.memref_slice %arg11[%mul3A_120, %dma_start3A_130] : memref<10240x128xf32, #tpu.memory_space<vmem_shared>> -> memref<640x128xf32, #tpu.memory_space<vmem_shared>>
      tpu.enqueue_dma source(%dma_start3A_131 : memref<640x128xf32, #tpu.memory_space<vmem_shared>>) target(%dma_start3A_129 : memref<640x128xf32, #tpu.memory_space<hbm>>) target_semaphore(%run_scoped3A_123 : memref<!tpu.dma_semaphore, #tpu.memory_space<semaphore_mem>>)
      %dma_wait3A_132 = arith.constant 0 : i32
      %dma_wait3A_133 = arith.constant 0 : i32
      %dma_wait3A_134 = tpu.memref_slice %arg6[%arg0, %dma_wait3A_132, %dma_wait3A_133] : memref<2x10240x128xf32, #tpu.memory_space<hbm>> -> memref<1x10240x128xf32, #tpu.memory_space<hbm>>
      %dma_wait3A_135 = tpu.memref_squeeze %dma_wait3A_134 : memref<1x10240x128xf32, #tpu.memory_space<hbm>> -> memref<10240x128xf32, #tpu.memory_space<hbm>>
      %dma_wait3A_136 = arith.constant 0 : i32
      %dma_wait3A_137 = tpu.memref_slice %dma_wait3A_135[%mul3A_122, %dma_wait3A_136] : memref<10240x128xf32, #tpu.memory_space<hbm>> -> memref<640x128xf32, #tpu.memory_space<hbm>>
      %dma_wait3A_138 = arith.constant 0 : i32
      %dma_wait3A_139 = tpu.memref_slice %arg11[%mul3A_120, %dma_wait3A_138] : memref<10240x128xf32, #tpu.memory_space<vmem_shared>> -> memref<640x128xf32, #tpu.memory_space<vmem_shared>>
      tpu.wait_dma2 semaphore(%run_scoped3A_123 : memref<!tpu.dma_semaphore, #tpu.memory_space<semaphore_mem>>) src(%dma_wait3A_139 : memref<640x128xf32, #tpu.memory_space<vmem_shared>>) dst(%dma_wait3A_137 : memref<640x128xf32, #tpu.memory_space<hbm>>)
      tpu.yield
    }) : () -> ()
    return
  }
}

module attributes {stable_mosaic.version = 14 : i64} {
  func.func @body(%arg0: i32, %arg1: i32, %arg2: memref<2000x128xf32, #tpu.memory_space<vmem>>, %arg3: memref<1x2000x128xf32, #tpu.memory_space<vmem>>, %arg4: memref<1x2000x128xf32, #tpu.memory_space<vmem>>, %arg5: memref<2000x128xf32, #tpu.memory_space<vmem>>, %arg6: memref<1x128xf32, #tpu.memory_space<vmem>>) attributes {dimension_semantics = [#tpu.dimension_semantics<arbitrary>, #tpu.dimension_semantics<arbitrary>], iteration_bounds = array<i64: 2, 5>, scalar_prefetch = 0 : i64, scratch_operands = 1 : i64, tpu.core_type = #tpu.core_type<tc>, window_params = [{transform_indices = @transform_0, window_bounds = array<i64: 2000, 128>}, {transform_indices = @transform_1, window_bounds = array<i64: 1, 2000, 128>}, {transform_indices = @transform_2, window_bounds = array<i64: 1, 2000, 128>}, {transform_indices = @transform_3, window_bounds = array<i64: 2000, 128>}]} {
    %eq3A = arith.constant 0 : i32
    %eq3A_0 = arith.cmpi eq, %arg0, %eq3A : i32
    %convert_element_type3A = arith.extui %eq3A_0 : i1 to i32
    %cond3A = arith.constant 0 : i32
    %cond3A_1 = arith.cmpi ne, %convert_element_type3A, %cond3A : i32
    scf.if %cond3A_1 {
      %eq3A_7 = arith.constant 0 : i32
      %eq3A_8 = arith.cmpi eq, %arg1, %eq3A_7 : i32
      %convert_element_type3A_9 = arith.extui %eq3A_8 : i1 to i32
      %cond3A_10 = arith.constant 0 : i32
      %cond3A_11 = arith.cmpi ne, %convert_element_type3A_9, %cond3A_10 : i32
      scf.if %cond3A_11 {
        %broadcast_in_dim3A_20 = arith.constant 0.000000e+00 : f32
        %broadcast_in_dim3A_21 = vector.broadcast %broadcast_in_dim3A_20 : f32 to vector<1x128xf32>
        %swap3A_22 = arith.constant 0 : index
        %swap3A_23 = arith.constant 0 : index
        %swap3A_24 = vector.load %arg6[%swap3A_22, %swap3A_23] : memref<1x128xf32, #tpu.memory_space<vmem>>, vector<1x128xf32>
        tpu.vector_store %arg6[%swap3A_22, %swap3A_23], %broadcast_in_dim3A_21 {strides = array<i32>} : memref<1x128xf32, #tpu.memory_space<vmem>>, vector<1x128xf32>,
      } else {
      }
      %get3A = arith.constant 0 : index
      %get3A_12 = arith.constant 0 : index
      %get3A_13 = vector.load %arg6[%get3A, %get3A_12] : memref<1x128xf32, #tpu.memory_space<vmem>>, vector<1x128xf32>
      %get3A_14 = arith.constant 0 : index
      %get3A_15 = arith.constant 0 : index
      %get3A_16 = vector.load %arg2[%get3A_14, %get3A_15] : memref<2000x128xf32, #tpu.memory_space<vmem>>, vector<2000x128xf32>
      %reduce_sum3A = arith.constant dense<0.000000e+00> : vector<128xf32>
      %reduce_sum3A_17 = vector.multi_reduction <add>, %get3A_16, %reduce_sum3A [0] : vector<2000x128xf32> to vector<128xf32>
      %broadcast_in_dim3A = vector.shape_cast %reduce_sum3A_17 : vector<128xf32> to vector<1x128xf32>
      %add3A = arith.addf %get3A_13, %broadcast_in_dim3A : vector<1x128xf32>
      %swap3A = arith.constant 0 : index
      %swap3A_18 = arith.constant 0 : index
      %swap3A_19 = vector.load %arg6[%swap3A, %swap3A_18] : memref<1x128xf32, #tpu.memory_space<vmem>>, vector<1x128xf32>
      tpu.vector_store %arg6[%swap3A, %swap3A_18], %add3A {strides = array<i32>} : memref<1x128xf32, #tpu.memory_space<vmem>>, vector<1x128xf32>,
    } else {
    }
    %eq3A_2 = arith.constant 1 : i32
    %eq3A_3 = arith.cmpi eq, %arg0, %eq3A_2 : i32
    %convert_element_type3A_4 = arith.extui %eq3A_3 : i1 to i32
    %cond3A_5 = arith.constant 0 : i32
    %cond3A_6 = arith.cmpi ne, %convert_element_type3A_4, %cond3A_5 : i32
    scf.if %cond3A_6 {
      %get3A = arith.constant 0 : index
      %get3A_7 = arith.constant 0 : index
      %get3A_8 = vector.load %arg2[%get3A, %get3A_7] : memref<2000x128xf32, #tpu.memory_space<vmem>>, vector<2000x128xf32>
      %mul3A = arith.constant 2.000000e+00 : f32
      %mul3A_9 = vector.broadcast %mul3A : f32 to vector<2000x128xf32>
      %mul3A_10 = arith.mulf %mul3A_9, %get3A_8 : vector<2000x128xf32>
      %get3A_11 = arith.constant 0 : index
      %get3A_12 = arith.constant 0 : index
      %get3A_13 = arith.constant 0 : index
      %get3A_14 = vector.load %arg3[%get3A_11, %get3A_12, %get3A_13] : memref<1x2000x128xf32, #tpu.memory_space<vmem>>, vector<1x2000x128xf32>
      %get3A_15 = vector.shape_cast %get3A_14 : vector<1x2000x128xf32> to vector<2000x128xf32>
      %add3A = arith.addf %mul3A_10, %get3A_15 : vector<2000x128xf32>
      %get3A_16 = arith.constant 0 : index
      %get3A_17 = arith.constant 0 : index
      %get3A_18 = arith.constant 0 : index
      %get3A_19 = vector.load %arg4[%get3A_16, %get3A_17, %get3A_18] : memref<1x2000x128xf32, #tpu.memory_space<vmem>>, vector<1x2000x128xf32>
      %get3A_20 = vector.shape_cast %get3A_19 : vector<1x2000x128xf32> to vector<2000x128xf32>
      %add3A_21 = arith.addf %add3A, %get3A_20 : vector<2000x128xf32>
      %get3A_22 = arith.constant 0 : index
      %get3A_23 = arith.constant 0 : index
      %get3A_24 = vector.load %arg6[%get3A_22, %get3A_23] : memref<1x128xf32, #tpu.memory_space<vmem>>, vector<1x128xf32>
      %mul3A_25 = arith.constant 9.99999974E-5 : f32
      %mul3A_26 = vector.broadcast %mul3A_25 : f32 to vector<1x128xf32>
      %mul3A_27 = arith.mulf %get3A_24, %mul3A_26 : vector<1x128xf32>
      %add3A_28 = vector.broadcast %mul3A_27 : vector<1x128xf32> to vector<2000x128xf32>
      %add3A_29 = arith.addf %add3A_21, %add3A_28 : vector<2000x128xf32>
      %swap3A = arith.constant 0 : index
      %swap3A_30 = arith.constant 0 : index
      %swap3A_31 = vector.load %arg5[%swap3A, %swap3A_30] : memref<2000x128xf32, #tpu.memory_space<vmem>>, vector<2000x128xf32>
      tpu.vector_store %arg5[%swap3A, %swap3A_30], %add3A_29 {strides = array<i32>} : memref<2000x128xf32, #tpu.memory_space<vmem>>, vector<2000x128xf32>,
    } else {
    }
    return
  }
  func.func @transform_0(%arg0: i32, %arg1: i32) -> (i32, i32) {
    %c0_i32 = arith.constant 0 : i32
    %c0_i32_0 = arith.constant 0 : i32
    return %arg1, %c0_i32 : i32, i32
  }
  func.func @transform_1(%arg0: i32, %arg1: i32) -> (i32, i32, i32) {
    %c0_i32 = arith.constant 0 : i32
    %c0_i32_0 = arith.constant 0 : i32
    %c0_i32_1 = arith.constant 0 : i32
    return %c0_i32, %arg1, %c0_i32_0 : i32, i32, i32
  }
  func.func @transform_2(%arg0: i32, %arg1: i32) -> (i32, i32, i32) {
    %c1_i32 = arith.constant 1 : i32
    %c0_i32 = arith.constant 0 : i32
    %c0_i32_0 = arith.constant 0 : i32
    return %c1_i32, %arg1, %c0_i32 : i32, i32, i32
  }
  func.func @transform_3(%arg0: i32, %arg1: i32) -> (i32, i32) {
    %c0_i32 = arith.constant 0 : i32
    %c0_i32_0 = arith.constant 0 : i32
    return %arg1, %c0_i32 : i32, i32
  }
}

module attributes {stable_mosaic.version = 14 : i64} {
  func.func @body(%arg0: i32, %arg1: i32, %arg2: memref<2000x128xf32, #tpu.memory_space<vmem>>, %arg3: memref<1x2000x128xf32, #tpu.memory_space<vmem>>, %arg4: memref<1x2000x128xf32, #tpu.memory_space<vmem>>, %arg5: memref<128x16xf32, #tpu.memory_space<vmem>>, %arg6: memref<1x16xf32, #tpu.memory_space<vmem>>, %arg7: memref<2000x16xf32, #tpu.memory_space<vmem>>, %arg8: memref<1x128xf32, #tpu.memory_space<vmem>>) attributes {dimension_semantics = [#tpu.dimension_semantics<arbitrary>, #tpu.dimension_semantics<arbitrary>], iteration_bounds = array<i64: 2, 5>, scalar_prefetch = 0 : i64, scratch_operands = 1 : i64, tpu.core_type = #tpu.core_type<tc>, window_params = [{transform_indices = @transform_0, window_bounds = array<i64: 2000, 128>}, {transform_indices = @transform_1, window_bounds = array<i64: 1, 2000, 128>}, {transform_indices = @transform_2, window_bounds = array<i64: 1, 2000, 128>}, {pipeline_mode = #tpu.pipeline_mode<synchronous>, transform_indices = @transform_3, window_bounds = array<i64: 128, 16>}, {pipeline_mode = #tpu.pipeline_mode<synchronous>, transform_indices = @transform_4, window_bounds = array<i64: 1, 16>}, {transform_indices = @transform_5, window_bounds = array<i64: 2000, 16>}]} {
    %eq3A = arith.constant 0 : i32
    %eq3A_0 = arith.cmpi eq, %arg0, %eq3A : i32
    %convert_element_type3A = arith.extui %eq3A_0 : i1 to i32
    %cond3A = arith.constant 0 : i32
    %cond3A_1 = arith.cmpi ne, %convert_element_type3A, %cond3A : i32
    scf.if %cond3A_1 {
      %eq3A_7 = arith.constant 0 : i32
      %eq3A_8 = arith.cmpi eq, %arg1, %eq3A_7 : i32
      %convert_element_type3A_9 = arith.extui %eq3A_8 : i1 to i32
      %cond3A_10 = arith.constant 0 : i32
      %cond3A_11 = arith.cmpi ne, %convert_element_type3A_9, %cond3A_10 : i32
      scf.if %cond3A_11 {
        %broadcast_in_dim3A_20 = arith.constant 0.000000e+00 : f32
        %broadcast_in_dim3A_21 = vector.broadcast %broadcast_in_dim3A_20 : f32 to vector<1x128xf32>
        %swap3A_22 = arith.constant 0 : index
        %swap3A_23 = arith.constant 0 : index
        %swap3A_24 = vector.load %arg8[%swap3A_22, %swap3A_23] : memref<1x128xf32, #tpu.memory_space<vmem>>, vector<1x128xf32>
        tpu.vector_store %arg8[%swap3A_22, %swap3A_23], %broadcast_in_dim3A_21 {strides = array<i32>} : memref<1x128xf32, #tpu.memory_space<vmem>>, vector<1x128xf32>,
      } else {
      }
      %get3A = arith.constant 0 : index
      %get3A_12 = arith.constant 0 : index
      %get3A_13 = vector.load %arg8[%get3A, %get3A_12] : memref<1x128xf32, #tpu.memory_space<vmem>>, vector<1x128xf32>
      %get3A_14 = arith.constant 0 : index
      %get3A_15 = arith.constant 0 : index
      %get3A_16 = vector.load %arg2[%get3A_14, %get3A_15] : memref<2000x128xf32, #tpu.memory_space<vmem>>, vector<2000x128xf32>
      %reduce_sum3A = arith.constant dense<0.000000e+00> : vector<128xf32>
      %reduce_sum3A_17 = vector.multi_reduction <add>, %get3A_16, %reduce_sum3A [0] : vector<2000x128xf32> to vector<128xf32>
      %broadcast_in_dim3A = vector.shape_cast %reduce_sum3A_17 : vector<128xf32> to vector<1x128xf32>
      %add3A = arith.addf %get3A_13, %broadcast_in_dim3A : vector<1x128xf32>
      %swap3A = arith.constant 0 : index
      %swap3A_18 = arith.constant 0 : index
      %swap3A_19 = vector.load %arg8[%swap3A, %swap3A_18] : memref<1x128xf32, #tpu.memory_space<vmem>>, vector<1x128xf32>
      tpu.vector_store %arg8[%swap3A, %swap3A_18], %add3A {strides = array<i32>} : memref<1x128xf32, #tpu.memory_space<vmem>>, vector<1x128xf32>,
    } else {
    }
    %eq3A_2 = arith.constant 1 : i32
    %eq3A_3 = arith.cmpi eq, %arg0, %eq3A_2 : i32
    %convert_element_type3A_4 = arith.extui %eq3A_3 : i1 to i32
    %cond3A_5 = arith.constant 0 : i32
    %cond3A_6 = arith.cmpi ne, %convert_element_type3A_4, %cond3A_5 : i32
    scf.if %cond3A_6 {
      %get3A = arith.constant 0 : index
      %get3A_7 = arith.constant 0 : index
      %get3A_8 = vector.load %arg2[%get3A, %get3A_7] : memref<2000x128xf32, #tpu.memory_space<vmem>>, vector<2000x128xf32>
      %mul3A = arith.constant 2.000000e+00 : f32
      %mul3A_9 = vector.broadcast %mul3A : f32 to vector<2000x128xf32>
      %mul3A_10 = arith.mulf %mul3A_9, %get3A_8 : vector<2000x128xf32>
      %get3A_11 = arith.constant 0 : index
      %get3A_12 = arith.constant 0 : index
      %get3A_13 = arith.constant 0 : index
      %get3A_14 = vector.load %arg3[%get3A_11, %get3A_12, %get3A_13] : memref<1x2000x128xf32, #tpu.memory_space<vmem>>, vector<1x2000x128xf32>
      %get3A_15 = vector.shape_cast %get3A_14 : vector<1x2000x128xf32> to vector<2000x128xf32>
      %add3A = arith.addf %mul3A_10, %get3A_15 : vector<2000x128xf32>
      %get3A_16 = arith.constant 0 : index
      %get3A_17 = arith.constant 0 : index
      %get3A_18 = arith.constant 0 : index
      %get3A_19 = vector.load %arg4[%get3A_16, %get3A_17, %get3A_18] : memref<1x2000x128xf32, #tpu.memory_space<vmem>>, vector<1x2000x128xf32>
      %get3A_20 = vector.shape_cast %get3A_19 : vector<1x2000x128xf32> to vector<2000x128xf32>
      %add3A_21 = arith.addf %add3A, %get3A_20 : vector<2000x128xf32>
      %get3A_22 = arith.constant 0 : index
      %get3A_23 = arith.constant 0 : index
      %get3A_24 = vector.load %arg8[%get3A_22, %get3A_23] : memref<1x128xf32, #tpu.memory_space<vmem>>, vector<1x128xf32>
      %mul3A_25 = arith.constant 9.99999974E-5 : f32
      %mul3A_26 = vector.broadcast %mul3A_25 : f32 to vector<1x128xf32>
      %mul3A_27 = arith.mulf %get3A_24, %mul3A_26 : vector<1x128xf32>
      %add3A_28 = vector.broadcast %mul3A_27 : vector<1x128xf32> to vector<2000x128xf32>
      %add3A_29 = arith.addf %add3A_21, %add3A_28 : vector<2000x128xf32>
      %get3A_30 = arith.constant 0 : index
      %get3A_31 = arith.constant 0 : index
      %get3A_32 = vector.load %arg5[%get3A_30, %get3A_31] : memref<128x16xf32, #tpu.memory_space<vmem>>, vector<128x16xf32>
      %dot_general3A = arith.constant dense<0.000000e+00> : vector<2000x16xf32>
      %dot_general3A_33 = tpu.matmul %add3A_29, %get3A_32, %dot_general3A {dimension_numbers = #tpu.dot_dimension_numbers<[1], [0], [0], [1], [0, 0, 1, 1], [], []>, transpose_lhs_hint = false} : vector<2000x128xf32>, vector<128x16xf32>, vector<2000x16xf32> -> vector<2000x16xf32>
      %get3A_34 = arith.constant 0 : index
      %get3A_35 = arith.constant 0 : index
      %get3A_36 = vector.load %arg6[%get3A_34, %get3A_35] : memref<1x16xf32, #tpu.memory_space<vmem>>, vector<1x16xf32>
      %add3A_37 = vector.broadcast %get3A_36 : vector<1x16xf32> to vector<2000x16xf32>
      %add3A_38 = arith.addf %dot_general3A_33, %add3A_37 : vector<2000x16xf32>
      %logistic3A = arith.negf %add3A_38 : vector<2000x16xf32>
      %logistic3A_39 = math.exp %logistic3A : vector<2000x16xf32>
      %logistic3A_40 = arith.constant 1.000000e+00 : f32
      %logistic3A_41 = vector.broadcast %logistic3A_40 : f32 to vector<2000x16xf32>
      %logistic3A_42 = arith.addf %logistic3A_41, %logistic3A_39 : vector<2000x16xf32>
      %logistic3A_43 = arith.divf %logistic3A_41, %logistic3A_42 : vector<2000x16xf32>
      %swap3A = arith.constant 0 : index
      %swap3A_44 = arith.constant 0 : index
      %swap3A_45 = vector.load %arg7[%swap3A, %swap3A_44] : memref<2000x16xf32, #tpu.memory_space<vmem>>, vector<2000x16xf32>
      tpu.vector_store %arg7[%swap3A, %swap3A_44], %logistic3A_43 {strides = array<i32>} : memref<2000x16xf32, #tpu.memory_space<vmem>>, vector<2000x16xf32>,
    } else {
    }
    return
  }
  func.func @transform_0(%arg0: i32, %arg1: i32) -> (i32, i32) {
    %c0_i32 = arith.constant 0 : i32
    %c0_i32_0 = arith.constant 0 : i32
    return %arg1, %c0_i32 : i32, i32
  }
  func.func @transform_1(%arg0: i32, %arg1: i32) -> (i32, i32, i32) {
    %c0_i32 = arith.constant 0 : i32
    %c0_i32_0 = arith.constant 0 : i32
    %c0_i32_1 = arith.constant 0 : i32
    return %c0_i32, %arg1, %c0_i32_0 : i32, i32, i32
  }
  func.func @transform_2(%arg0: i32, %arg1: i32) -> (i32, i32, i32) {
    %c1_i32 = arith.constant 1 : i32
    %c0_i32 = arith.constant 0 : i32
    %c0_i32_0 = arith.constant 0 : i32
    return %c1_i32, %arg1, %c0_i32 : i32, i32, i32
  }
  func.func @transform_3(%arg0: i32, %arg1: i32) -> (i32, i32) {
    %c0_i32 = arith.constant 0 : i32
    %c0_i32_0 = arith.constant 0 : i32
    %c0_i32_1 = arith.constant 0 : i32
    return %c0_i32, %c0_i32_0 : i32, i32
  }
  func.func @transform_4(%arg0: i32, %arg1: i32) -> (i32, i32) {
    %c0_i32 = arith.constant 0 : i32
    %c0_i32_0 = arith.constant 0 : i32
    %c0_i32_1 = arith.constant 0 : i32
    return %c0_i32, %c0_i32_0 : i32, i32
  }
  func.func @transform_5(%arg0: i32, %arg1: i32) -> (i32, i32) {
    %c0_i32 = arith.constant 0 : i32
    %c0_i32_0 = arith.constant 0 : i32
    return %arg1, %c0_i32 : i32, i32
  }
}

</mosaic_0001>

<sc_bundles>
// kernel: kernel.6.cloned.1.call-start
scs
__scs_entry_jumppad:
0x0: {  	(pc) =	sbr.rel $0x88, $3  }
0x1: {  	(tag) =	ssettag $0x0;
	lr =	simm.s32 $0x1  }
0x2: {  	[smem:$0x3F9D] =	sst lr;
	_ =	strace $0xD0000000  }
0x3: {  	_ = 	snop  }
0x4: {  	_ = 	snop  }
0x5: {  	_ = 	snop  }
0x6: {  	_ = 	snop  }
0x7: {  	_ = 	snop  }
__scs_overlays_trampoline_lowered:
0x8: {  	[smem:$0x3FAC] =	sst s0  }
0x9: {  	[smem:$0x3FAD] =	sst s1  }
0xa: {  	[smem:$0x3FAE] =	sst s2  }
0xb: {  	[smem:$0x3FAF] =	sst s3  }
0xc: {  	[smem:$0x3FB0] =	sst s4  }
0xd: {  	[smem:$0x3FB1] =	sst s5  }
0xe: {  	[smem:$0x3FB2] =	sst s6  }
0xf: {  	[smem:$0x3FB3] =	sst s7  }
0x10: {  	[smem:$0x3FB4] =	sst s8  }
0x11: {  	[smem:$0x3FB5] =	sst s9;
	s0 =	simm.s32 @!p0 $0x0  }
0x12: {  	s1 =	sld [smem:$0x3F9B];
	s0 =	simm.s32 @p0 $0x1  }
0x13: {  	[smem:$0x3FB6] =	sst s0;
	s0 =	simm.s32 @!p1 $0x0  }
0x14: {  	s2 =	sld [smem:$0x3F9A];
	s0 =	simm.s32 @p1 $0x1  }
0x15: {  	[smem:$0x3FB7] =	sst s0;
	s0 =	simm.s32 @!p2 $0x0  }
0x16: {  	s3 =	sld [smem:$0x3FDB];
	s0 =	simm.s32 @p2 $0x1  }
0x17: {  	s4 =	simm.s32 $0x1BF5;
	[smem:$0x3FB9] =	sst s0  }
0x18: {  	s0 =	sld [smem:$0x3F9C];
	_ =	swait.ge [sflag:s4], $0x0  }
0x19: {  	s7 =	sld [smem:$0x3F9D]  }
0x1a: {  	s8 =	sadd.s32 $0xFFFFE003, lr  }
0x1b: {  	s9 =	sadd.s32 $0xFFFFFEF7, lr;
	s5 =	simm.s32 $0xFFFFFFFF;
	p2 =	slt.u32 s8, $0xFFFFF086  }
0x1c: {  	p1 =	slt.u32 s9, $0xF7A;
	s5 =	simm.s32 @!p2 $0x0  }
0x1d: {  	s5 =	simm.s32 @p1 $0x1;
	p0 =	seq.s32 s7, s2  }
0x1e: {  	s7 =	smul.u32 @!p0 $0xF7A, s2;
	p2 =	seq.s32 @!p0 s5, $0x0  }
0x1f: {  	s9 =	smul.u32 $0xF7A, s1;
	s8 =	simm.s32 @!p0 $0x1BF5;
	p2 =	por !p2, p0  }
0x20: {  	[sflag:s8] =	ssyncset.s32 @!p0 $0xFFFFF086;
	s6 =	sadd.s32 @!p0 s3, s7;
	s7 =	simm.s32 @!p0 $0x108  }
0x21: {  	s3 =	sadd.s32 s3, s9;
	s6 =	sadd.s32 @!p0 $0x88, s6;
	s7 =	simm.s32 @p2 $0x1082  }
0x22: {  	[simem:s7], [sflag:s8] =	dma.local @!p0 [hbm:s6], $0xF7A  }
0x23: {  	s9 =	sor.u32 $0xD0000000, s2;
	s6 =	simm.s32 $0x108;
	_ =	swait.ge @!p0 [sflag:s8], $0x0  }
0x24: {  	s3 =	sadd.s32 $0x88, s3;
	s6 =	simm.s32 @!p1 $0x1082;
	[sflag:s4] =	ssyncset.s32 $0xFFFFF086  }
0x25: {  	[simem:s6], [sflag:s4] =	dma.local [hbm:s3], $0xF7A  }
0x26: {  	[smem:$0x3F9D] =	sst s1;
	(tag) =	ssettag s2;
	_ =	strace s9  }
0x27: {  	s1 =	sld [smem:$0x3FAD]  }
0x28: {  	s2 =	sld [smem:$0x3FAE]  }
0x29: {  	s4 =	sld [smem:$0x3FB0]  }
0x2a: {  	p0 =	seq.s32 s5, $0x0;
	s5 =	sld [smem:$0x3FB1]  }
0x2b: {  	s6 =	sld [smem:$0x3FB2]  }
0x2c: {  	s7 =	sld [smem:$0x3FB3]  }
0x2d: {  	s3 =	simm.s32 $0x108;
	s8 =	sld [smem:$0x3FB4]  }
0x2e: {  	s3 =	simm.s32 @!p0 $0x1082;
	s9 =	sld [smem:$0x3FB5]  }
0x2f: {  	lr =	sadd.s32 s0, s3;
	s0 =	sld [smem:$0x3FAC]  }
0x30: {  	s3 =	sld [smem:$0x3FAF]  }
0x31: {  	[smem:$0x3FB8] =	sst s10  }
0x32: {  	s10 =	sld [smem:$0x3FB6];
	_ =	sdelay $0x3  }
0x33: {  	p0 =	seq.s32 s10, $0x1;
	s10 =	sld [smem:$0x3FB8];
	_ =	sdelay $0x3  }
0x34: {  	[smem:$0x3FB8] =	sst s10  }
0x35: {  	s10 =	sld [smem:$0x3FB7];
	_ =	sdelay $0x3  }
0x36: {  	p1 =	seq.s32 s10, $0x1;
	s10 =	sld [smem:$0x3FB8];
	_ =	sdelay $0x3  }
0x37: {  	[smem:$0x3FB8] =	sst s10  }
0x38: {  	s10 =	sld [smem:$0x3FB9]  }
0x39: {  	_ = 	snop;
	(pc) =	sbr.ind lr, $3  }
0x3a: {  	_ = 	snop  }
0x3b: {  	_ = 	snop  }
0x3c: {  	p2 =	seq.s32 s10, $0x1;
	s10 =	sld [smem:$0x3FB8]  }
0x3d: {  	_ =	shalt  }
0x3e: {  	_ =	shalt  }
0x3f: {  	_ =	shalt  }
0x40: {  	_ =	shalt  }
0x41: {  	_ =	shalt  }
0x42: {  	_ =	shalt  }
0x43: {  	_ =	shalt  }
0x44: {  	_ =	shalt  }
0x45: {  	_ =	shalt  }
0x46: {  	_ =	shalt  }
0x47: {  	_ =	shalt  }
0x48: {  	_ =	shalt  }
0x49: {  	_ =	shalt  }
0x4a: {  	_ =	shalt  }
0x4b: {  	_ =	shalt  }
0x4c: {  	_ =	shalt  }
0x4d: {  	_ =	shalt  }
0x4e: {  	_ =	shalt  }
0x4f: {  	_ =	shalt  }
0x50: {  	_ =	shalt  }
0x51: {  	_ =	shalt  }
0x52: {  	_ =	shalt  }
0x53: {  	_ =	shalt  }
0x54: {  	_ =	shalt  }
0x55: {  	_ =	shalt  }
0x56: {  	_ =	shalt  }
0x57: {  	_ =	shalt  }
0x58: {  	_ =	shalt  }
0x59: {  	_ =	shalt  }
0x5a: {  	_ =	shalt  }
0x5b: {  	_ =	shalt  }
0x5c: {  	_ =	shalt  }
0x5d: {  	_ =	shalt  }
0x5e: {  	_ =	shalt  }
0x5f: {  	_ =	shalt  }
0x60: {  	_ =	shalt  }
0x61: {  	_ =	shalt  }
0x62: {  	_ =	shalt  }
0x63: {  	_ =	shalt  }
0x64: {  	_ =	shalt  }
0x65: {  	_ =	shalt  }
0x66: {  	_ =	shalt  }
0x67: {  	_ =	shalt  }
0x68: {  	_ =	shalt  }
0x69: {  	_ =	shalt  }
0x6a: {  	_ =	shalt  }
0x6b: {  	_ =	shalt  }
0x6c: {  	_ =	shalt  }
0x6d: {  	_ =	shalt  }
0x6e: {  	_ =	shalt  }
0x6f: {  	_ =	shalt  }
0x70: {  	_ =	shalt  }
0x71: {  	_ =	shalt  }
0x72: {  	_ =	shalt  }
0x73: {  	_ =	shalt  }
0x74: {  	_ =	shalt  }
0x75: {  	_ =	shalt  }
0x76: {  	_ =	shalt  }
0x77: {  	_ =	shalt  }
0x78: {  	_ =	shalt  }
0x79: {  	_ =	shalt  }
0x7a: {  	_ =	shalt  }
0x7b: {  	_ =	shalt  }
0x7c: {  	_ =	shalt  }
0x7d: {  	_ =	shalt  }
0x7e: {  	_ =	shalt  }
0x7f: {  	_ =	shalt  }
0x80: {  	_ =	shalt  }
0x81: {  	_ =	shalt  }
0x82: {  	_ =	shalt  }
0x83: {  	_ =	shalt  }
0x84: {  	_ =	shalt  }
0x85: {  	_ =	shalt  }
0x86: {  	_ =	shalt  }
0x87: {  	_ =	shalt  }
.Lfunc_end0:
.L_simem_size_0:
called_computation_lowered:
.L_overlay_start_0:
0x88: {  	s2 =	sld [smem:$0x3FD9]  }
0x89: {  	s3 =	sld [smem:$0x3FFE];
	_ =	sdelay $0x1  }
0x8a: {  	s1 =	srdreg.scid  }
0x8b: {  	s0 =	sand.u32 $0x1, s1  }
0x8c: {  	s17 =	sshll.u32 s0, $0xA;
	s2 =	sadd.s32 s3, s2  }
0x8d: {  	s2 =	sadd.s32 s2, s17  }
0x8e: {  	[smem:$0x3FC4] =	sst s2  }
0x8f: {  	_ = 	snop  }
0x90: {  	s2 =	sld [smem:$0x3FC9]  }
0x91: {  	s18 =	sld [smem:$0x3FD0];
	(tm) =	ssettm $0x1  }
0x92: {  	s4 =	sld [smem:$0x3FFB];
	_ =	sdelay $0x3  }
0x93: {  	_ =	strace s4  }
0x94: {  	s4 =	sld [smem:$0x3FFC];
	_ =	sdelay $0x3  }
0x95: {  	_ =	strace s4  }
0x96: {  	s4 =	sld [smem:$0x3FFD];
	_ =	sdelay $0x3  }
0x97: {  	_ =	strace s4  }
0x98: {  	_ =	strace $0x8FFFFFFF  }
0x99: {  	s19 =	sld [smem:$0x3FDB];
	_ =	sdelay $0x1  }
0x9a: {  	s5 =	simm.s32 $_scs_section_size  }
0x9b: {  	s6 =	simm.s32 $_size__tile_overlayer_lowered;
	s7 =	simm.s32 $_tile_overlayer_lowered  }
0x9c: {  	s22 =	simm.s32 $0x1BFF;
	s21 =	sshll.u32 s7, $0x1;
	s4 =	sadd.s32 s5, s19  }
0x9d: {  	s8 =	simm.s32 $0x0;
	s20 =	sshll.u32 s6, $0x1;
	s6 =	sadd.s32 s21, s4  }
0x9e: {  	[timem:s8], [sflag:s22] =	dma.local [hbm:s6], s20  }
0x9f: {  	_ =	swait.ge [sflag:s22], s20  }
0xa0: {  	s5 =	ssub.s32 $0x0, s20;
	[sflag:s22] =	ssyncset.done $0x0  }
0xa1: {  	[sflag:s22] =	ssyncadd.s32 s5;
	_ =	sdelay $0x1  }
0xa2: {  	s23 =	simm.s32 $0x1B8B  }
0xa3: {  	_ =	swait.ge [sflag:s23], $0x1  }
0xa4: {  	[sflag:s23] =	ssyncset.done $0x0  }
0xa5: {  	s25 =	simm.s32 $0x1B8E;
	s24 =	sld [smem:$0x3FFE];
	[sflag:s23] =	ssyncadd.s32 $0xFFFFFFFF  }
0xa6: {  	s26 =	simm.s32 $execute0_lowered;
	[smem:$0x3FD2] =	sst s25  }
0xa7: {  	s6 =	sshll.u32 s26, $0x1;
	_ =	strace $0x80000046;
	[dreg:$0x1] =	wrdreg $0xFFFFFFFF  }
0xa8: {  	s28 =	simm.s32 $_size_execute0_lowered;
	s4 =	sadd.s32 s4, s6;
	[dreg:$0x0] =	wrdreg $0x0  }
0xa9: {  	s6 =	sshll.u32 s28, $0x1;
	[dreg:$0x2] =	wrdreg s4  }
0xaa: {  	[dreg:$0x3] =	wrdreg s6  }
0xab: {  	[dreg:$0x4] =	wrdreg $0xC0  }
0xac: {  	_ =	task [dreg:s8], $0x5FFFF  }
0xad: {  	[dreg:$0x1] =	wrdreg $0xFFFFFFFF  }
0xae: {  	[dreg:$0x0] =	wrdreg $0x60  }
0xaf: {  	[dreg:$0x2] =	wrdreg s2  }
0xb0: {  	[dreg:$0x3] =	wrdreg s24  }
0xb1: {  	[dreg:$0x4] =	wrdreg s18  }
0xb2: {  	[dreg:$0x5] =	wrdreg $0xB0000  }
0xb3: {  	[dreg:$0x6] =	wrdreg $0x9  }
0xb4: {  	_ =	task.clear_ibuf [dreg:s8], $0x7FFFF;
	_ =	strace $0x90000046  }
0xb5: {  	s29 =	simm.s32 $0x9;
	_ =	strace $0x80000048  }
0xb6: {  	_ =	swait.ge [sflag:s29], $0x1  }
0xb7: {  	[sflag:s29] =	ssyncadd.s32 $0xFFFFFFFF  }
0xb8: {  	_ =	strace $0x90000048  }
0xb9: {  	_ =	sfence  }
0xba: {  	s30 =	sld [smem:$0x0];
	_ =	sdelay $0x2  }
0xbb: {  	s31 =	sshll.u32 s1, $0xD;
	s1 =	sshrl.u32 s1, $0x2  }
0xbc: {  	s3 =	sand.u32 $0x4000, s31;
	s1 =	sadd.s32 s1, s30  }
0xbd: {  	s0 =	sor.u32 s3, s0;
	s1 =	sshll.u32 s1, $0x11  }
0xbe: {  	s0 =	sor.u32 s1, s0  }
0xbf: {  	s0 =	sadd.s32 $0x8F2B, s0  }
0xc0: {  	[sflag:s0] =	ssyncadd.remote.s32 $0x1  }
0xc1: {  	_ =	sfence.sel $0xFFFF  }
0xc2: {  	[dreg:$0x0] =	wrdreg $0xFFFFFFFF;
	(pc) =	sbr.abs _section_cstart, $3  }
0xc3: {  	[dreg:$0x1] =	wrdreg $0xFFFFFFFF  }
0xc4: {  	_ =	task.clear_ibuf [dreg:s8], $0x2FFFF;
	_ =	strace $0x9FFFFFFF  }
0xc5: {  	(tm) =	ssettm $0x7FFFFFFF  }
tec
execute0_lowered:
.L_overlay_start_1:
0x0: {  	(tag) =	ssettag $0x1  }
0x1: {  	s1 =	rddreg [dreg:$0x0]  }
0x2: {  	s0 =	srdreg.scid;
	s2 =	rddreg [dreg:$0x1]  }
0x3: {  	s12 =	stileid.u32;
	s3 =	rddreg [dreg:$0x2];
	s28 =	simm.s32 $0x2  }
0x4: {  	s29 =	simm.s32 $0x4;
	s31 =	simm.s32 $0x5;
	s9 =	smul.u32 $0x50000, s12  }
0x5: {  	s0 =	sand.u32 $0x1, s0;
	s6 =	sadd.s32 $0x1400, s2;
	s24 =	smul.u32 $0x2800, s12  }
0x6: {  	s13 =	sshll.u32 s12, $0x6;
	s4 =	sshll.u32 s0, $0x4;
	s11 =	smul.u32 $0x28000, s0  }
0x7: {  	s0 =	ssub.s32 $0x2, s0;
	s13 =	sor.u32 $0x1C07, s13;
	s5 =	sor.u32 s12, s4  }
0x8: {  	s4 =	rddreg [dreg:$0x3];
	s9 =	sshrl.u32 s9, $0x2;
	s20 =	sshrl.u32 s0, $0x1  }
0x9: {  	s12 =	simm.s32 $0x7;
	s7 =	smul.u32 $0x2800, s5;
	s5 =	simm.s32 $0x0  }
0xa: {  	s9 =	sadd.s32 s9, s4;
	s0 =	ssub.s32 s0, s20;
	[smem:$0x7FF] =	sst s5  }
0xb: {  	s21 =	sadd.s32 $0x4000, s9;
	s15 =	sadd.s32 $0x8000, s9;
	s16 =	sadd.s32 $0xC000, s9  }
0xc: {  	s23 =	sadd.s32 $0x10000, s9;
	s0 =	smax.u32 s0, $0x1;
	s14 =	sshrl.u32 s9, $0x3  }
0xd: {  	s8 =	sshrl.u32 s7, $0x3;
	_ =	strace $0x80000047;
	[dreg:$0x8] =	wrdreg s0  }
0xe: {  	s25 =	sshrl.u32 s21, $0x3;
	s26 =	sshrl.u32 s15, $0x3;
	s30 =	sshrl.u32 s16, $0x3  }
0xf: {  	s18 =	sshrl.u32 s23, $0x3;
	s21 =	simm.s32 $0x80;
	[dreg:$0x9] =	wrdreg s25  }
0x10: {  	s23 =	simm.s32 $0x7000;
	s10 =	sadd.s32 s8, s2;
	[dreg:$0xa] =	wrdreg s26  }
0x11: {  	s2 =	sadd.s32 s11, s2;
	s22 =	sadd.s32 s6, s8;
	[dreg:$0xb] =	wrdreg s30  }
0x12: {  	s25 =	simm.s32 $0x1;
	s10 =	sadd.s32 $0xB400, s10;
	[dreg:$0x6] =	wrdreg s22  }
0x13: {  	s26 =	simm.s32 $0x3;
	s2 =	sadd.s32 $0x15400, s2;
	[dreg:$0x5] =	wrdreg s10  }
0x14: {  	s10 =	sadd.s32 $0x80, s22;
	s22 =	simm.s32 $0x3000;
	s24 =	sadd.s32 s24, s2  }
0x15: {  	s2 =	simm.s32 $0x0;
	[dreg:$0x7] =	wrdreg s10;
	s10 =	sor.u32 $0x400, s7  }
.LBB2_1:
0x16: {  	s0 =	rddreg [dreg:$0x5]  }
0x17: {  	[tilespmem:s5], [sflag:$0x7] =	stream.linear.gather [hbm4b:s0+s5], $0x2800, $0x38;
	[tilespmem:$0x1F000] =	vst v63  }
0x18: {  	_ =	swait.ge [sflag:s12], $0x2800  }
0x19: {  	[sflag:s12] =	ssyncset.done $0x0  }
0x1a: {  	[sflag:s12] =	ssyncadd.s32 $0xFFFFD800  }
0x1b: {  	[spmem:s14], [sflag:s13] =	dma.local [hbm:s3], $0x800  }
0x1c: {  	_ =	swait.ge [sflag:s12], $0x800  }
0x1d: {  	[sflag:s12] =	ssyncset.done $0x0  }
0x1e: {  	s8 =	rddreg [dreg:$0x9];
	[sflag:s12] =	ssyncadd.s32 $0xFFFFF800  }
0x1f: {  	[spmem:s8], [sflag:s13] =	dma.local [hbm:s3], $0x800  }
0x20: {  	_ =	swait.ge [sflag:s12], $0x800  }
0x21: {  	[sflag:s12] =	ssyncset.done $0x0  }
0x22: {  	s9 =	rddreg [dreg:$0xa];
	[sflag:s12] =	ssyncadd.s32 $0xFFFFF800  }
0x23: {  	[spmem:s9], [sflag:s13] =	dma.local [hbm:s3], $0x800  }
0x24: {  	_ =	swait.ge [sflag:s12], $0x800  }
0x25: {  	[sflag:s12] =	ssyncset.done $0x0  }
0x26: {  	s11 =	rddreg [dreg:$0xb];
	[sflag:s12] =	ssyncadd.s32 $0xFFFFF800  }
0x27: {  	[spmem:s11], [sflag:s13] =	dma.local [hbm:s3], $0x800  }
0x28: {  	_ =	swait.ge [sflag:s12], $0x800  }
0x29: {  	[sflag:s12] =	ssyncset.done $0x0  }
0x2a: {  	[sflag:s12] =	ssyncadd.s32 $0xFFFFF800  }
0x2b: {  	[spmem:s18], [sflag:s13] =	dma.local [hbm:s3], $0x800  }
0x2c: {  	_ =	swait.ge [sflag:s12], $0x800  }
0x2d: {  	[sflag:s12] =	ssyncset.done $0x0  }
0x2e: {  	[sflag:s12] =	ssyncadd.s32 $0xFFFFF800  }
0x2f: {  	[bflag:$0x0] =	sbarrier.arrive $0xFFFF  }
0x30: {  	s7 =	simm.s32 $0x2800;
	s15 =	rddreg [dreg:$0x6]  }
0x31: {  	[tilespmem:s7], [sflag:$0x7] =	stream.linear.gather [hbm4b:s15+s5], $0x400, $0x38;
	[tilespmem:$0x1F000] =	vst v63  }
0x32: {  	_ =	swait.ge [sflag:s12], $0x400  }
0x33: {  	[sflag:s12] =	ssyncset.done $0x0  }
0x34: {  	s8 =	simm.s32 $0x2C00;
	s16 =	rddreg [dreg:$0x7];
	[sflag:s12] =	ssyncadd.s32 $0xFFFFFC00  }
0x35: {  	[tilespmem:s8], [sflag:$0x6] =	stream.linear.gather [hbm4b:s16+s5], $0x400, $0x38;
	[tilespmem:$0x1F000] =	vst v63  }
0x36: {  	_ = 	snop  }
0x37: {  	[tilespmem:s22], [sflag:$0x1] =	stream.indirect.gather [hbm4b:s1+s21], $0x80, s5, s21, $0xb8;
	[tilespmem:$0x1F000] =	vst v63  }
0x38: {  	_ = 	snop  }
0x39: {  	[tilespmem:s23], [sflag:$0x2] =	stream.indirect.gather [hbm4b:s1+s21], $0x80, s21, s21, $0xb8;
	[tilespmem:$0x1F000] =	vst v63  }
0x3a: {  	_ =	swait.ge [sflag:s25], $0x4000  }
0x3b: {  	[sflag:s25] =	ssyncset.done $0x0  }
0x3c: {  	s30 =	simm.s32 $0x100;
	s20 =	simm.s32 $0x4;
	[sflag:s25] =	ssyncadd.s32 $0xFFFFC000  }
0x3d: {  	[spmem:s4] =	stream.indirect.scatter.add.f32 [tilespmem:s22], [sflag:$0x3], $0x80, s7, s21, $0xb8;
	[tilespmem:$0x1F000] =	vst v63  }
0x3e: {  	s17 =	simm.s32 $0x100;
	s19 =	simm.s32 $0x0;
	s7 =	sand.u32 $0xE, s28  }
0x3f: {  	s0 =	simm.s32 $0x180;
	_ =	swait.ge [sflag:s26], $0x4000;
	p0 =	seq.s32 s7, $0x0  }
0x40: {  	[sflag:s26] =	ssyncset.done $0x0;
	s9 =	simm.s32 @p0 $0x0;
	p1 =	sne.s32 @!p0 s7, $0x8  }
0x41: {  	s7 =	simm.s32 $0x200;
	s11 =	simm.s32 @p0 $0x5;
	[sflag:s26] =	ssyncadd.s32 $0xFFFFC000  }
0x42: {  	[tilespmem:s22], [sflag:$0x1] =	stream.indirect.gather [hbm4b:s1+s21], $0x80, s17, s21, $0xb8;
	[tilespmem:$0x1F000] =	vst v63  }
0x43: {  	s16 =	simm.s32 @p0 $0x2C00;
	s8 =	smin.u32 @p0 s9, $0x8;
	_ =	swait.ge [sflag:s28], $0x4000  }
0x44: {  	s9 =	sand.u32 $0x700, s19;
	p2 =	por p1, p0;
	[sflag:s28] =	ssyncset.done $0x0  }
0x45: {  	s8 =	sshll.u32 @p0 s8, $0xA;
	s9 =	sor.u32 $0x2880, s9;
	[sflag:s28] =	ssyncadd.s32 $0xFFFFC000  }
0x46: {  	[spmem:s4] =	stream.indirect.scatter.add.f32 [tilespmem:s23], [sflag:$0x4], $0x80, s9, s21, $0xb8;
	[tilespmem:$0x1F000] =	vst v63  }
0x47: {  	s17 =	simm.s32 @p0 $0x0;
	s9 =	simm.s32 @!p2 $0x0;
	_ =	swait.ge [sflag:s29], $0x4000  }
0x48: {  	s8 =	sadd.s32 @p0 s8, s10;
	s9 =	smin.u32 @!p2 s9, $0x8;
	[sflag:s29] =	ssyncset.done $0x0  }
0x49: {  	s8 =	sshrl.u32 @p0 s8, $0x3;
	s9 =	sshll.u32 @!p2 s9, $0xA;
	[sflag:s29] =	ssyncadd.s32 $0xFFFFC000  }
0x4a: {  	[tilespmem:s23], [sflag:$0x2] =	stream.indirect.gather [hbm4b:s1+s21], $0x80, s0, s21, $0xb8;
	[tilespmem:$0x1F000] =	vst v63  }
0x4b: {  	s15 =	sadd.s32 @p0 s6, s8;
	s9 =	sadd.s32 @!p2 s9, s10;
	_ =	swait.ge @p0 [sflag:s11], $0x400  }
0x4c: {  	s8 =	simm.s32 @!p2 $0x6;
	s19 =	sshrl.u32 @!p2 s9, $0x3;
	[sflag:s11] =	ssyncset.done @p0 $0x0  }
.LBB2_2:
0x4d: {  	[sflag:s11] =	ssyncadd.s32 @p0 $0xFFFFFC00;
	s9 =	smov.u32 s20;
	s20 =	sadd.s32 $0x2, s20  }
0x4e: {  	[tilespmem:s16], [sflag:$0x6] =	stream.linear.gather @p0 [hbm4b:s15+s17], $0x400, $0x38;
	[tilespmem:$0x1F000] =	vst v63  }
0x4f: {  	s11 =	simm.s32 @!p2 $0x2800;
	p1 =	sne.s32 s20, $0x50;
	_ =	swait.ge @!p2 [sflag:s8], $0x400  }
0x50: {  	s15 =	sadd.s32 @!p2 s6, s19;
	s16 =	simm.s32 @!p2 $0x0;
	[sflag:s8] =	ssyncset.done @!p2 $0x0  }
0x51: {  	[sflag:s8] =	ssyncadd.s32 @!p2 $0xFFFFFC00  }
0x52: {  	[tilespmem:s11], [sflag:$0x5] =	stream.linear.gather @!p2 [hbm4b:s15+s16], $0x400, $0x38;
	[tilespmem:$0x1F000] =	vst v63  }
0x53: {  	s0 =	sadd.s32 $0x100, s0;
	s8 =	sand.u32 $0x700, s30;
	_ =	swait.ge [sflag:s25], $0x4000  }
0x54: {  	s11 =	sadd.s32 $0xFFFFFF80, s0;
	s15 =	sand.u32 $0xE, s9;
	[sflag:s25] =	ssyncset.done $0x0  }
0x55: {  	s8 =	sor.u32 $0x2800, s8;
	p0 =	seq.s32 s15, $0x0;
	[sflag:s25] =	ssyncadd.s32 $0xFFFFC000  }
0x56: {  	[spmem:s4] =	stream.indirect.scatter.add.f32 [tilespmem:s22], [sflag:$0x3], $0x80, s8, s21, $0xb8;
	[tilespmem:$0x1F000] =	vst v63  }
0x57: {  	p2 =	sne.s32 @!p0 s15, $0x8;
	s8 =	sshrl.u32 @p0 s9, $0x3;
	_ =	swait.ge [sflag:s26], $0x4000  }
0x58: {  	s30 =	smov.u32 s7;
	s8 =	smin.u32 @p0 s8, $0x8;
	[sflag:s26] =	ssyncset.done $0x0  }
0x59: {  	s7 =	sadd.s32 $0x100, s7;
	[sflag:s26] =	ssyncadd.s32 $0xFFFFC000  }
0x5a: {  	[tilespmem:s22], [sflag:$0x1] =	stream.indirect.gather [hbm4b:s1+s21], $0x80, s11, s21, $0xb8;
	[tilespmem:$0x1F000] =	vst v63  }
0x5b: {  	p2 =	por p2, p0;
	s11 =	sadd.s32 $0xFFFFFF00, s30;
	_ =	swait.ge [sflag:s28], $0x4000  }
0x5c: {  	s8 =	sshll.u32 @p0 s8, $0xA;
	s11 =	sand.u32 $0x700, s11;
	[sflag:s28] =	ssyncset.done $0x0  }
0x5d: {  	s8 =	sadd.s32 @p0 s8, s10;
	s15 =	sor.u32 $0x2880, s11;
	s11 =	simm.s32 @p0 $0x5  }
0x5e: {  	s9 =	sshrl.u32 @!p2 s9, $0x3;
	s8 =	sshrl.u32 @p0 s8, $0x3;
	[sflag:s28] =	ssyncadd.s32 $0xFFFFC000  }
0x5f: {  	[spmem:s4] =	stream.indirect.scatter.add.f32 [tilespmem:s23], [sflag:$0x4], $0x80, s15, s21, $0xb8;
	[tilespmem:$0x1F000] =	vst v63  }
0x60: {  	s9 =	smin.u32 @!p2 s9, $0x8;
	s15 =	sadd.s32 @p0 s6, s8;
	_ =	swait.ge [sflag:s29], $0x4000  }
.Ltmp0:
0x61: {  	s8 =	simm.s32 @!p2 $0x6;
	[sflag:s29] =	ssyncset.done $0x0;
	(pc) =	sbr.rel @p1 .LBB2_2-.Ltmp0, $4  }
0x62: {  	s9 =	sshll.u32 @!p2 s9, $0xA;
	[sflag:s29] =	ssyncadd.s32 $0xFFFFC000  }
0x63: {  	[tilespmem:s23], [sflag:$0x2] =	stream.indirect.gather [hbm4b:s1+s21], $0x80, s0, s21, $0xb8;
	[tilespmem:$0x1F000] =	vst v63  }
0x64: {  	s16 =	simm.s32 @p0 $0x2C00;
	s9 =	sadd.s32 @!p2 s9, s10;
	_ =	swait.ge @p0 [sflag:s11], $0x400  }
0x65: {  	s17 =	simm.s32 @p0 $0x0;
	s19 =	sshrl.u32 @!p2 s9, $0x3;
	[sflag:s11] =	ssyncset.done @p0 $0x0  }
0x66: {  	[sflag:s11] =	ssyncadd.s32 @p0 $0xFFFFFC00  }
0x67: {  	[tilespmem:s16], [sflag:$0x6] =	stream.linear.gather @p0 [hbm4b:s15+s17], $0x400, $0x38;
	[tilespmem:$0x1F000] =	vst v63  }
0x68: {  	_ =	swait.ge @!p2 [sflag:s8], $0x400  }
0x69: {  	s0 =	simm.s32 @!p2 $0x2800;
	[sflag:s8] =	ssyncset.done @!p2 $0x0  }
0x6a: {  	s7 =	sadd.s32 @!p2 s6, s19;
	s9 =	simm.s32 @!p2 $0x0;
	[sflag:s8] =	ssyncadd.s32 @!p2 $0xFFFFFC00  }
0x6b: {  	[tilespmem:s0], [sflag:$0x5] =	stream.linear.gather @!p2 [hbm4b:s7+s9], $0x400, $0x38;
	[tilespmem:$0x1F000] =	vst v63  }
0x6c: {  	_ =	swait.ge [sflag:s25], $0x4000  }
0x6d: {  	s19 =	sand.u32 $0x700, s30;
	[sflag:s25] =	ssyncset.done $0x0  }
0x6e: {  	s0 =	sor.u32 $0x2800, s19;
	[sflag:s25] =	ssyncadd.s32 $0xFFFFC000  }
0x6f: {  	[spmem:s4] =	stream.indirect.scatter.add.f32 [tilespmem:s22], [sflag:$0x3], $0x80, s0, s21, $0xb8;
	[tilespmem:$0x1F000] =	vst v63  }
0x70: {  	_ =	swait.ge [sflag:s28], $0x4000  }
0x71: {  	[sflag:s28] =	ssyncset.done $0x0  }
0x72: {  	[sflag:s28] =	ssyncadd.s32 $0xFFFFC000  }
0x73: {  	_ =	swait.ge [sflag:s26], $0x4000  }
0x74: {  	[sflag:s26] =	ssyncset.done $0x0  }
0x75: {  	s20 =	simm.s32 $0x2F80;
	[sflag:s26] =	ssyncadd.s32 $0xFFFFC000  }
0x76: {  	[spmem:s4] =	stream.indirect.scatter.add.f32 [tilespmem:s23], [sflag:$0x4], $0x80, s20, s21, $0xb8;
	[tilespmem:$0x1F000] =	vst v63  }
0x77: {  	_ =	swait.ge [sflag:s29], $0x4000  }
0x78: {  	[sflag:s29] =	ssyncset.done $0x0  }
0x79: {  	[sflag:s29] =	ssyncadd.s32 $0xFFFFC000  }
0x7a: {  	_ =	swait.ge [sflag:s31], $0x400  }
0x7b: {  	[sflag:s31] =	ssyncset.done $0x0  }
0x7c: {  	[sflag:s31] =	ssyncadd.s32 $0xFFFFFC00  }
0x7d: {  	[bflag:$0x0] =	sbarrier.arrive $0xFFFF  }
0x7e: {  	[hbm:s24], [sflag:s13] =	dma.local [spmem:s14], $0x2800  }
0x7f: {  	_ =	swait.ge [sflag:s12], $0x2800  }
0x80: {  	s2 =	sadd.s32 $0x1, s2;
	s30 =	rddreg [dreg:$0x8]  }
0x81: {  	p0 =	sne.s32 s2, s30  }
.Ltmp1:
0x82: {  	_ = 	snop;
	(pc) =	sbr.rel @p0 .LBB2_1-.Ltmp1, $3  }
0x83: {  	_ =	sdelay $0x1  }
0x84: {  	[sflag:s12] =	ssyncset.done $0x0  }
0x85: {  	[sflag:s12] =	ssyncadd.s32 $0xFFFFD800  }
0x86: {  	_ =	sfence.sel $0x180000  }
0x87: {  	[bflag:$0x0] =	sbarrier.arrive $0xFFFF  }
0x88: {  	_ =	strace $0x90000047  }
0x89: {  	s0 =	stileid.u32;
	[bflag:$0x2] =	sbarrier.arrive $0xFFFF  }
0x8a: {  	p0 =	sne.s32 s0, $0x0;
	s0 =	rddreg [dreg:$0x4]  }
0x8b: {  	s0 =	sadd.s32 @!p0 $0x100000, s0  }
0x8c: {  	[sflag:s0] =	ssyncadd.tile.s32 @!p0 $0x1;
	_ =	shalt  }
.Lfunc_end2:
_tile_overlayer_lowered:
.L_overlay_start_2:
0x8d: {  	(tag) =	ssettag $0x2  }
0x8e: {  	s0 =	rddreg [dreg:$0x0];
	s2 =	stileid.u32  }
0x8f: {  	s1 =	rddreg [dreg:$0x1];
	p0 =	sne.s32 s2, $0x0  }
0x90: {  	s3 =	rddreg [dreg:$0x2];
	[bflag:$0x3] =	sbarrier.arrive $0xFFFF;
	s2 =	simm.s32 @!p0 $0x1C07  }
0x91: {  	[timem:s3], [sflag:s2] =	dma.local @!p0 [hbm:s0], s1  }
0x92: {  	s0 =	simm.s32 @!p0 $0x7  }
0x93: {  	_ =	swait.ge @!p0 [sflag:s0], s1  }
0x94: {  	s1 =	ssub.s32 @!p0 $0x0, s1;
	[sflag:s0] =	ssyncset.done @!p0 $0x0  }
0x95: {  	[sflag:s0] =	ssyncadd.s32 @!p0 s1  }
0x96: {  	[bflag:$0x3] =	sbarrier.arrive $0xFFFF  }
0x97: {  	_ =	shalt  }

// kernel: kernel.9.cloned.1.call-start
scs
__scs_entry_jumppad:
0x0: {  	(pc) =	sbr.rel $0x88, $3  }
0x1: {  	(tag) =	ssettag $0x0;
	lr =	simm.s32 $0x1  }
0x2: {  	[smem:$0x3F9D] =	sst lr;
	_ =	strace $0xD0000000  }
0x3: {  	_ = 	snop  }
0x4: {  	_ = 	snop  }
0x5: {  	_ = 	snop  }
0x6: {  	_ = 	snop  }
0x7: {  	_ = 	snop  }
__scs_overlays_trampoline_lowered:
0x8: {  	[smem:$0x3FAC] =	sst s0  }
0x9: {  	[smem:$0x3FAD] =	sst s1  }
0xa: {  	[smem:$0x3FAE] =	sst s2  }
0xb: {  	[smem:$0x3FAF] =	sst s3  }
0xc: {  	[smem:$0x3FB0] =	sst s4  }
0xd: {  	[smem:$0x3FB1] =	sst s5  }
0xe: {  	[smem:$0x3FB2] =	sst s6  }
0xf: {  	[smem:$0x3FB3] =	sst s7  }
0x10: {  	[smem:$0x3FB4] =	sst s8  }
0x11: {  	[smem:$0x3FB5] =	sst s9;
	s0 =	simm.s32 @!p0 $0x0  }
0x12: {  	s1 =	sld [smem:$0x3F9B];
	s0 =	simm.s32 @p0 $0x1  }
0x13: {  	[smem:$0x3FB6] =	sst s0;
	s0 =	simm.s32 @!p1 $0x0  }
0x14: {  	s2 =	sld [smem:$0x3F9A];
	s0 =	simm.s32 @p1 $0x1  }
0x15: {  	[smem:$0x3FB7] =	sst s0;
	s0 =	simm.s32 @!p2 $0x0  }
0x16: {  	s3 =	sld [smem:$0x3FDB];
	s0 =	simm.s32 @p2 $0x1  }
0x17: {  	s4 =	simm.s32 $0x1BF5;
	[smem:$0x3FB9] =	sst s0  }
0x18: {  	s0 =	sld [smem:$0x3F9C];
	_ =	swait.ge [sflag:s4], $0x0  }
0x19: {  	s7 =	sld [smem:$0x3F9D]  }
0x1a: {  	s8 =	sadd.s32 $0xFFFFE003, lr  }
0x1b: {  	s9 =	sadd.s32 $0xFFFFFEF7, lr;
	s5 =	simm.s32 $0xFFFFFFFF;
	p2 =	slt.u32 s8, $0xFFFFF086  }
0x1c: {  	p1 =	slt.u32 s9, $0xF7A;
	s5 =	simm.s32 @!p2 $0x0  }
0x1d: {  	s5 =	simm.s32 @p1 $0x1;
	p0 =	seq.s32 s7, s2  }
0x1e: {  	s7 =	smul.u32 @!p0 $0xF7A, s2;
	p2 =	seq.s32 @!p0 s5, $0x0  }
0x1f: {  	s9 =	smul.u32 $0xF7A, s1;
	s8 =	simm.s32 @!p0 $0x1BF5;
	p2 =	por !p2, p0  }
0x20: {  	[sflag:s8] =	ssyncset.s32 @!p0 $0xFFFFF086;
	s6 =	sadd.s32 @!p0 s3, s7;
	s7 =	simm.s32 @!p0 $0x108  }
0x21: {  	s3 =	sadd.s32 s3, s9;
	s6 =	sadd.s32 @!p0 $0x88, s6;
	s7 =	simm.s32 @p2 $0x1082  }
0x22: {  	[simem:s7], [sflag:s8] =	dma.local @!p0 [hbm:s6], $0xF7A  }
0x23: {  	s9 =	sor.u32 $0xD0000000, s2;
	s6 =	simm.s32 $0x108;
	_ =	swait.ge @!p0 [sflag:s8], $0x0  }
0x24: {  	s3 =	sadd.s32 $0x88, s3;
	s6 =	simm.s32 @!p1 $0x1082;
	[sflag:s4] =	ssyncset.s32 $0xFFFFF086  }
0x25: {  	[simem:s6], [sflag:s4] =	dma.local [hbm:s3], $0xF7A  }
0x26: {  	[smem:$0x3F9D] =	sst s1;
	(tag) =	ssettag s2;
	_ =	strace s9  }
0x27: {  	s1 =	sld [smem:$0x3FAD]  }
0x28: {  	s2 =	sld [smem:$0x3FAE]  }
0x29: {  	s4 =	sld [smem:$0x3FB0]  }
0x2a: {  	p0 =	seq.s32 s5, $0x0;
	s5 =	sld [smem:$0x3FB1]  }
0x2b: {  	s6 =	sld [smem:$0x3FB2]  }
0x2c: {  	s7 =	sld [smem:$0x3FB3]  }
0x2d: {  	s3 =	simm.s32 $0x108;
	s8 =	sld [smem:$0x3FB4]  }
0x2e: {  	s3 =	simm.s32 @!p0 $0x1082;
	s9 =	sld [smem:$0x3FB5]  }
0x2f: {  	lr =	sadd.s32 s0, s3;
	s0 =	sld [smem:$0x3FAC]  }
0x30: {  	s3 =	sld [smem:$0x3FAF]  }
0x31: {  	[smem:$0x3FB8] =	sst s10  }
0x32: {  	s10 =	sld [smem:$0x3FB6];
	_ =	sdelay $0x3  }
0x33: {  	p0 =	seq.s32 s10, $0x1;
	s10 =	sld [smem:$0x3FB8];
	_ =	sdelay $0x3  }
0x34: {  	[smem:$0x3FB8] =	sst s10  }
0x35: {  	s10 =	sld [smem:$0x3FB7];
	_ =	sdelay $0x3  }
0x36: {  	p1 =	seq.s32 s10, $0x1;
	s10 =	sld [smem:$0x3FB8];
	_ =	sdelay $0x3  }
0x37: {  	[smem:$0x3FB8] =	sst s10  }
0x38: {  	s10 =	sld [smem:$0x3FB9]  }
0x39: {  	_ = 	snop;
	(pc) =	sbr.ind lr, $3  }
0x3a: {  	_ = 	snop  }
0x3b: {  	_ = 	snop  }
0x3c: {  	p2 =	seq.s32 s10, $0x1;
	s10 =	sld [smem:$0x3FB8]  }
0x3d: {  	_ =	shalt  }
0x3e: {  	_ =	shalt  }
0x3f: {  	_ =	shalt  }
0x40: {  	_ =	shalt  }
0x41: {  	_ =	shalt  }
0x42: {  	_ =	shalt  }
0x43: {  	_ =	shalt  }
0x44: {  	_ =	shalt  }
0x45: {  	_ =	shalt  }
0x46: {  	_ =	shalt  }
0x47: {  	_ =	shalt  }
0x48: {  	_ =	shalt  }
0x49: {  	_ =	shalt  }
0x4a: {  	_ =	shalt  }
0x4b: {  	_ =	shalt  }
0x4c: {  	_ =	shalt  }
0x4d: {  	_ =	shalt  }
0x4e: {  	_ =	shalt  }
0x4f: {  	_ =	shalt  }
0x50: {  	_ =	shalt  }
0x51: {  	_ =	shalt  }
0x52: {  	_ =	shalt  }
0x53: {  	_ =	shalt  }
0x54: {  	_ =	shalt  }
0x55: {  	_ =	shalt  }
0x56: {  	_ =	shalt  }
0x57: {  	_ =	shalt  }
0x58: {  	_ =	shalt  }
0x59: {  	_ =	shalt  }
0x5a: {  	_ =	shalt  }
0x5b: {  	_ =	shalt  }
0x5c: {  	_ =	shalt  }
0x5d: {  	_ =	shalt  }
0x5e: {  	_ =	shalt  }
0x5f: {  	_ =	shalt  }
0x60: {  	_ =	shalt  }
0x61: {  	_ =	shalt  }
0x62: {  	_ =	shalt  }
0x63: {  	_ =	shalt  }
0x64: {  	_ =	shalt  }
0x65: {  	_ =	shalt  }
0x66: {  	_ =	shalt  }
0x67: {  	_ =	shalt  }
0x68: {  	_ =	shalt  }
0x69: {  	_ =	shalt  }
0x6a: {  	_ =	shalt  }
0x6b: {  	_ =	shalt  }
0x6c: {  	_ =	shalt  }
0x6d: {  	_ =	shalt  }
0x6e: {  	_ =	shalt  }
0x6f: {  	_ =	shalt  }
0x70: {  	_ =	shalt  }
0x71: {  	_ =	shalt  }
0x72: {  	_ =	shalt  }
0x73: {  	_ =	shalt  }
0x74: {  	_ =	shalt  }
0x75: {  	_ =	shalt  }
0x76: {  	_ =	shalt  }
0x77: {  	_ =	shalt  }
0x78: {  	_ =	shalt  }
0x79: {  	_ =	shalt  }
0x7a: {  	_ =	shalt  }
0x7b: {  	_ =	shalt  }
0x7c: {  	_ =	shalt  }
0x7d: {  	_ =	shalt  }
0x7e: {  	_ =	shalt  }
0x7f: {  	_ =	shalt  }
0x80: {  	_ =	shalt  }
0x81: {  	_ =	shalt  }
0x82: {  	_ =	shalt  }
0x83: {  	_ =	shalt  }
0x84: {  	_ =	shalt  }
0x85: {  	_ =	shalt  }
0x86: {  	_ =	shalt  }
0x87: {  	_ =	shalt  }
.Lfunc_end0:
.L_simem_size_0:
called_computation.1_lowered:
.L_overlay_start_0:
0x88: {  	s2 =	sld [smem:$0x3FD9]  }
0x89: {  	s3 =	sld [smem:$0x3FFE];
	_ =	sdelay $0x1  }
0x8a: {  	s1 =	srdreg.scid  }
0x8b: {  	s0 =	sand.u32 $0x1, s1  }
0x8c: {  	s17 =	sshll.u32 s0, $0xA;
	s2 =	sadd.s32 s3, s2  }
0x8d: {  	s2 =	sadd.s32 s2, s17  }
0x8e: {  	[smem:$0x3FC4] =	sst s2  }
0x8f: {  	_ = 	snop  }
0x90: {  	s2 =	sld [smem:$0x3FD0];
	(tm) =	ssettm $0x1  }
0x91: {  	s18 =	sld [smem:$0x3FFB];
	_ =	sdelay $0x3  }
0x92: {  	_ =	strace s18  }
0x93: {  	s3 =	sld [smem:$0x3FFC];
	_ =	sdelay $0x3  }
0x94: {  	_ =	strace s3  }
0x95: {  	s3 =	sld [smem:$0x3FFD];
	_ =	sdelay $0x3  }
0x96: {  	_ =	strace s3  }
0x97: {  	_ =	strace $0x8FFFFFFF  }
0x98: {  	s19 =	sld [smem:$0x3FDB];
	_ =	sdelay $0x1  }
0x99: {  	s4 =	simm.s32 $_scs_section_size  }
0x9a: {  	s5 =	simm.s32 $_size__tile_overlayer_lowered;
	s6 =	simm.s32 $_tile_overlayer_lowered  }
0x9b: {  	s22 =	simm.s32 $0x1BFF;
	s21 =	sshll.u32 s6, $0x1;
	s3 =	sadd.s32 s4, s19  }
0x9c: {  	s7 =	simm.s32 $0x0;
	s20 =	sshll.u32 s5, $0x1;
	s5 =	sadd.s32 s21, s3  }
0x9d: {  	[timem:s7], [sflag:s22] =	dma.local [hbm:s5], s20  }
0x9e: {  	_ =	swait.ge [sflag:s22], s20  }
0x9f: {  	s4 =	ssub.s32 $0x0, s20;
	[sflag:s22] =	ssyncset.done $0x0  }
0xa0: {  	[sflag:s22] =	ssyncadd.s32 s4;
	_ =	sdelay $0x1  }
0xa1: {  	s23 =	simm.s32 $0x1B8B  }
0xa2: {  	_ =	swait.ge [sflag:s23], $0x1  }
0xa3: {  	[sflag:s23] =	ssyncset.done $0x0  }
0xa4: {  	s25 =	simm.s32 $0x1B8E;
	s24 =	sld [smem:$0x3FFE];
	[sflag:s23] =	ssyncadd.s32 $0xFFFFFFFF  }
0xa5: {  	s26 =	simm.s32 $execute0_lowered;
	[smem:$0x3FD2] =	sst s25  }
0xa6: {  	s5 =	sshll.u32 s26, $0x1;
	_ =	strace $0x80000049;
	[dreg:$0x1] =	wrdreg $0xFFFFFFFF  }
0xa7: {  	s28 =	simm.s32 $_size_execute0_lowered;
	s3 =	sadd.s32 s3, s5;
	[dreg:$0x0] =	wrdreg $0x0  }
0xa8: {  	s5 =	sshll.u32 s28, $0x1;
	[dreg:$0x2] =	wrdreg s3  }
0xa9: {  	[dreg:$0x3] =	wrdreg s5  }
0xaa: {  	[dreg:$0x4] =	wrdreg $0xC0  }
0xab: {  	_ =	task [dreg:s7], $0x5FFFF  }
0xac: {  	[dreg:$0x1] =	wrdreg $0xFFFFFFFF  }
0xad: {  	[dreg:$0x0] =	wrdreg $0x60  }
0xae: {  	[dreg:$0x2] =	wrdreg s24  }
0xaf: {  	[dreg:$0x3] =	wrdreg s2  }
0xb0: {  	[dreg:$0x4] =	wrdreg $0xB0000  }
0xb1: {  	[dreg:$0x5] =	wrdreg $0x9  }
0xb2: {  	_ =	task.clear_ibuf [dreg:s7], $0x6FFFF;
	_ =	strace $0x90000049  }
0xb3: {  	s29 =	simm.s32 $0x9;
	_ =	strace $0x8000004B  }
0xb4: {  	_ =	swait.ge [sflag:s29], $0x1  }
0xb5: {  	[sflag:s29] =	ssyncadd.s32 $0xFFFFFFFF  }
0xb6: {  	_ =	strace $0x9000004B  }
0xb7: {  	_ =	sfence  }
0xb8: {  	s30 =	sld [smem:$0x0];
	_ =	sdelay $0x2  }
0xb9: {  	s31 =	sshll.u32 s1, $0xD;
	s1 =	sshrl.u32 s1, $0x2  }
0xba: {  	s3 =	sand.u32 $0x4000, s31;
	s1 =	sadd.s32 s1, s30  }
0xbb: {  	s0 =	sor.u32 s3, s0;
	s1 =	sshll.u32 s1, $0x11  }
0xbc: {  	s0 =	sor.u32 s1, s0  }
0xbd: {  	s0 =	sadd.s32 $0x8F2B, s0  }
0xbe: {  	[sflag:s0] =	ssyncadd.remote.s32 $0x1  }
0xbf: {  	_ =	sfence.sel $0xFFFF  }
0xc0: {  	[dreg:$0x0] =	wrdreg $0xFFFFFFFF;
	(pc) =	sbr.abs _section_cstart, $3  }
0xc1: {  	[dreg:$0x1] =	wrdreg $0xFFFFFFFF  }
0xc2: {  	_ =	task.clear_ibuf [dreg:s7], $0x2FFFF;
	_ =	strace $0x9FFFFFFF  }
0xc3: {  	(tm) =	ssettm $0x7FFFFFFF  }
tec
execute0_lowered:
.L_overlay_start_1:
0x0: {  	(tag) =	ssettag $0x1  }
0x1: {  	s1 =	rddreg [dreg:$0x0]  }
0x2: {  	s0 =	srdreg.scid;
	s2 =	rddreg [dreg:$0x1]  }
0x3: {  	s12 =	stileid.u32;
	s3 =	rddreg [dreg:$0x2];
	s28 =	simm.s32 $0x2  }
0x4: {  	s29 =	simm.s32 $0x4;
	s31 =	simm.s32 $0x5;
	s9 =	smul.u32 $0x50000, s12  }
0x5: {  	s0 =	sand.u32 $0x1, s0;
	s6 =	sadd.s32 $0x1400, s1;
	s24 =	smul.u32 $0x2800, s12  }
0x6: {  	s13 =	sshll.u32 s12, $0x6;
	s4 =	sshll.u32 s0, $0x4;
	s11 =	smul.u32 $0x28000, s0  }
0x7: {  	s0 =	ssub.s32 $0x2, s0;
	s13 =	sor.u32 $0x1C07, s13;
	s5 =	sor.u32 s12, s4  }
0x8: {  	s4 =	simm.s32 $0x0;
	s9 =	sshrl.u32 s9, $0x2;
	s20 =	sshrl.u32 s0, $0x1  }
0x9: {  	s12 =	simm.s32 $0x7;
	s7 =	smul.u32 $0x2800, s5;
	[smem:$0x7FF] =	sst s4  }
0xa: {  	s5 =	sadd.s32 $0x15400, s1;
	s9 =	sadd.s32 s9, s3;
	s0 =	ssub.s32 s0, s20  }
0xb: {  	_ =	strace $0x8000004A;
	s21 =	sadd.s32 $0x4000, s9;
	s15 =	sadd.s32 $0x8000, s9  }
0xc: {  	s16 =	sadd.s32 $0xC000, s9;
	s23 =	sadd.s32 $0x10000, s9;
	s0 =	smax.u32 s0, $0x1  }
0xd: {  	s14 =	sshrl.u32 s9, $0x3;
	s8 =	sshrl.u32 s7, $0x3;
	[dreg:$0x7] =	wrdreg s0  }
0xe: {  	s25 =	sshrl.u32 s21, $0x3;
	s26 =	sshrl.u32 s15, $0x3;
	s30 =	sshrl.u32 s16, $0x3  }
0xf: {  	s18 =	sshrl.u32 s23, $0x3;
	s21 =	simm.s32 $0x80;
	[dreg:$0x8] =	wrdreg s25  }
0x10: {  	s23 =	simm.s32 $0x7000;
	s10 =	sadd.s32 s8, s1;
	[dreg:$0x9] =	wrdreg s26  }
0x11: {  	s1 =	sadd.s32 s11, s1;
	s22 =	sadd.s32 s6, s8;
	[dreg:$0xa] =	wrdreg s30  }
0x12: {  	s25 =	simm.s32 $0x1;
	s10 =	sadd.s32 $0xB400, s10;
	[dreg:$0x5] =	wrdreg s22  }
0x13: {  	s26 =	simm.s32 $0x3;
	s1 =	sadd.s32 $0x3C600, s1;
	[dreg:$0x4] =	wrdreg s10  }
0x14: {  	s10 =	sadd.s32 $0x80, s22;
	s22 =	simm.s32 $0x3000;
	s24 =	sadd.s32 s24, s1  }
0x15: {  	s1 =	simm.s32 $0x0;
	[dreg:$0x6] =	wrdreg s10;
	s10 =	sor.u32 $0x400, s7  }
.LBB2_1:
0x16: {  	s0 =	rddreg [dreg:$0x4]  }
0x17: {  	[tilespmem:s4], [sflag:$0x7] =	stream.linear.gather [hbm4b:s0+s4], $0x2800, $0x38;
	[tilespmem:$0x1F000] =	vst v63  }
0x18: {  	_ =	swait.ge [sflag:s12], $0x2800  }
0x19: {  	[sflag:s12] =	ssyncset.done $0x0  }
0x1a: {  	[sflag:s12] =	ssyncadd.s32 $0xFFFFD800  }
0x1b: {  	[spmem:s14], [sflag:s13] =	dma.local [hbm:s2], $0x800  }
0x1c: {  	_ =	swait.ge [sflag:s12], $0x800  }
0x1d: {  	[sflag:s12] =	ssyncset.done $0x0  }
0x1e: {  	s8 =	rddreg [dreg:$0x8];
	[sflag:s12] =	ssyncadd.s32 $0xFFFFF800  }
0x1f: {  	[spmem:s8], [sflag:s13] =	dma.local [hbm:s2], $0x800  }
0x20: {  	_ =	swait.ge [sflag:s12], $0x800  }
0x21: {  	[sflag:s12] =	ssyncset.done $0x0  }
0x22: {  	s9 =	rddreg [dreg:$0x9];
	[sflag:s12] =	ssyncadd.s32 $0xFFFFF800  }
0x23: {  	[spmem:s9], [sflag:s13] =	dma.local [hbm:s2], $0x800  }
0x24: {  	_ =	swait.ge [sflag:s12], $0x800  }
0x25: {  	[sflag:s12] =	ssyncset.done $0x0  }
0x26: {  	s11 =	rddreg [dreg:$0xa];
	[sflag:s12] =	ssyncadd.s32 $0xFFFFF800  }
0x27: {  	[spmem:s11], [sflag:s13] =	dma.local [hbm:s2], $0x800  }
0x28: {  	_ =	swait.ge [sflag:s12], $0x800  }
0x29: {  	[sflag:s12] =	ssyncset.done $0x0  }
0x2a: {  	[sflag:s12] =	ssyncadd.s32 $0xFFFFF800  }
0x2b: {  	[spmem:s18], [sflag:s13] =	dma.local [hbm:s2], $0x800  }
0x2c: {  	_ =	swait.ge [sflag:s12], $0x800  }
0x2d: {  	[sflag:s12] =	ssyncset.done $0x0  }
0x2e: {  	[sflag:s12] =	ssyncadd.s32 $0xFFFFF800  }
0x2f: {  	[bflag:$0x0] =	sbarrier.arrive $0xFFFF  }
0x30: {  	s7 =	simm.s32 $0x2800;
	s15 =	rddreg [dreg:$0x5]  }
0x31: {  	[tilespmem:s7], [sflag:$0x7] =	stream.linear.gather [hbm4b:s15+s4], $0x400, $0x38;
	[tilespmem:$0x1F000] =	vst v63  }
0x32: {  	_ =	swait.ge [sflag:s12], $0x400  }
0x33: {  	[sflag:s12] =	ssyncset.done $0x0  }
0x34: {  	s8 =	simm.s32 $0x2C00;
	s16 =	rddreg [dreg:$0x6];
	[sflag:s12] =	ssyncadd.s32 $0xFFFFFC00  }
0x35: {  	[tilespmem:s8], [sflag:$0x6] =	stream.linear.gather [hbm4b:s16+s4], $0x400, $0x38;
	[tilespmem:$0x1F000] =	vst v63  }
0x36: {  	_ = 	snop  }
0x37: {  	[tilespmem:s22], [sflag:$0x1] =	stream.indirect.gather [hbm4b:s5+s21], $0x80, s4, s21, $0xb8;
	[tilespmem:$0x1F000] =	vst v63  }
0x38: {  	_ = 	snop  }
0x39: {  	[tilespmem:s23], [sflag:$0x2] =	stream.indirect.gather [hbm4b:s5+s21], $0x80, s21, s21, $0xb8;
	[tilespmem:$0x1F000] =	vst v63  }
0x3a: {  	_ =	swait.ge [sflag:s25], $0x4000  }
0x3b: {  	[sflag:s25] =	ssyncset.done $0x0  }
0x3c: {  	s30 =	simm.s32 $0x100;
	s20 =	simm.s32 $0x4;
	[sflag:s25] =	ssyncadd.s32 $0xFFFFC000  }
0x3d: {  	[spmem:s3] =	stream.indirect.scatter.add.f32 [tilespmem:s22], [sflag:$0x3], $0x80, s7, s21, $0xb8;
	[tilespmem:$0x1F000] =	vst v63  }
0x3e: {  	s17 =	simm.s32 $0x100;
	s19 =	simm.s32 $0x0;
	s7 =	sand.u32 $0xE, s28  }
0x3f: {  	s0 =	simm.s32 $0x180;
	_ =	swait.ge [sflag:s26], $0x4000;
	p0 =	seq.s32 s7, $0x0  }
0x40: {  	[sflag:s26] =	ssyncset.done $0x0;
	s9 =	simm.s32 @p0 $0x0;
	p1 =	sne.s32 @!p0 s7, $0x8  }
0x41: {  	s7 =	simm.s32 $0x200;
	s11 =	simm.s32 @p0 $0x5;
	[sflag:s26] =	ssyncadd.s32 $0xFFFFC000  }
0x42: {  	[tilespmem:s22], [sflag:$0x1] =	stream.indirect.gather [hbm4b:s5+s21], $0x80, s17, s21, $0xb8;
	[tilespmem:$0x1F000] =	vst v63  }
0x43: {  	s16 =	simm.s32 @p0 $0x2C00;
	s8 =	smin.u32 @p0 s9, $0x8;
	_ =	swait.ge [sflag:s28], $0x4000  }
0x44: {  	s9 =	sand.u32 $0x700, s19;
	p2 =	por p1, p0;
	[sflag:s28] =	ssyncset.done $0x0  }
0x45: {  	s8 =	sshll.u32 @p0 s8, $0xA;
	s9 =	sor.u32 $0x2880, s9;
	[sflag:s28] =	ssyncadd.s32 $0xFFFFC000  }
0x46: {  	[spmem:s3] =	stream.indirect.scatter.add.f32 [tilespmem:s23], [sflag:$0x4], $0x80, s9, s21, $0xb8;
	[tilespmem:$0x1F000] =	vst v63  }
0x47: {  	s17 =	simm.s32 @p0 $0x0;
	s9 =	simm.s32 @!p2 $0x0;
	_ =	swait.ge [sflag:s29], $0x4000  }
0x48: {  	s8 =	sadd.s32 @p0 s8, s10;
	s9 =	smin.u32 @!p2 s9, $0x8;
	[sflag:s29] =	ssyncset.done $0x0  }
0x49: {  	s8 =	sshrl.u32 @p0 s8, $0x3;
	s9 =	sshll.u32 @!p2 s9, $0xA;
	[sflag:s29] =	ssyncadd.s32 $0xFFFFC000  }
0x4a: {  	[tilespmem:s23], [sflag:$0x2] =	stream.indirect.gather [hbm4b:s5+s21], $0x80, s0, s21, $0xb8;
	[tilespmem:$0x1F000] =	vst v63  }
0x4b: {  	s15 =	sadd.s32 @p0 s6, s8;
	s9 =	sadd.s32 @!p2 s9, s10;
	_ =	swait.ge @p0 [sflag:s11], $0x400  }
0x4c: {  	s8 =	simm.s32 @!p2 $0x6;
	s19 =	sshrl.u32 @!p2 s9, $0x3;
	[sflag:s11] =	ssyncset.done @p0 $0x0  }
.LBB2_2:
0x4d: {  	[sflag:s11] =	ssyncadd.s32 @p0 $0xFFFFFC00;
	s9 =	smov.u32 s20;
	s20 =	sadd.s32 $0x2, s20  }
0x4e: {  	[tilespmem:s16], [sflag:$0x6] =	stream.linear.gather @p0 [hbm4b:s15+s17], $0x400, $0x38;
	[tilespmem:$0x1F000] =	vst v63  }
0x4f: {  	s11 =	simm.s32 @!p2 $0x2800;
	p1 =	sne.s32 s20, $0x50;
	_ =	swait.ge @!p2 [sflag:s8], $0x400  }
0x50: {  	s15 =	sadd.s32 @!p2 s6, s19;
	s16 =	simm.s32 @!p2 $0x0;
	[sflag:s8] =	ssyncset.done @!p2 $0x0  }
0x51: {  	[sflag:s8] =	ssyncadd.s32 @!p2 $0xFFFFFC00  }
0x52: {  	[tilespmem:s11], [sflag:$0x5] =	stream.linear.gather @!p2 [hbm4b:s15+s16], $0x400, $0x38;
	[tilespmem:$0x1F000] =	vst v63  }
0x53: {  	s0 =	sadd.s32 $0x100, s0;
	s8 =	sand.u32 $0x700, s30;
	_ =	swait.ge [sflag:s25], $0x4000  }
0x54: {  	s11 =	sadd.s32 $0xFFFFFF80, s0;
	s15 =	sand.u32 $0xE, s9;
	[sflag:s25] =	ssyncset.done $0x0  }
0x55: {  	s8 =	sor.u32 $0x2800, s8;
	p0 =	seq.s32 s15, $0x0;
	[sflag:s25] =	ssyncadd.s32 $0xFFFFC000  }
0x56: {  	[spmem:s3] =	stream.indirect.scatter.add.f32 [tilespmem:s22], [sflag:$0x3], $0x80, s8, s21, $0xb8;
	[tilespmem:$0x1F000] =	vst v63  }
0x57: {  	p2 =	sne.s32 @!p0 s15, $0x8;
	s8 =	sshrl.u32 @p0 s9, $0x3;
	_ =	swait.ge [sflag:s26], $0x4000  }
0x58: {  	s30 =	smov.u32 s7;
	s8 =	smin.u32 @p0 s8, $0x8;
	[sflag:s26] =	ssyncset.done $0x0  }
0x59: {  	s7 =	sadd.s32 $0x100, s7;
	[sflag:s26] =	ssyncadd.s32 $0xFFFFC000  }
0x5a: {  	[tilespmem:s22], [sflag:$0x1] =	stream.indirect.gather [hbm4b:s5+s21], $0x80, s11, s21, $0xb8;
	[tilespmem:$0x1F000] =	vst v63  }
0x5b: {  	p2 =	por p2, p0;
	s11 =	sadd.s32 $0xFFFFFF00, s30;
	_ =	swait.ge [sflag:s28], $0x4000  }
0x5c: {  	s8 =	sshll.u32 @p0 s8, $0xA;
	s11 =	sand.u32 $0x700, s11;
	[sflag:s28] =	ssyncset.done $0x0  }
0x5d: {  	s8 =	sadd.s32 @p0 s8, s10;
	s15 =	sor.u32 $0x2880, s11;
	s11 =	simm.s32 @p0 $0x5  }
0x5e: {  	s9 =	sshrl.u32 @!p2 s9, $0x3;
	s8 =	sshrl.u32 @p0 s8, $0x3;
	[sflag:s28] =	ssyncadd.s32 $0xFFFFC000  }
0x5f: {  	[spmem:s3] =	stream.indirect.scatter.add.f32 [tilespmem:s23], [sflag:$0x4], $0x80, s15, s21, $0xb8;
	[tilespmem:$0x1F000] =	vst v63  }
0x60: {  	s9 =	smin.u32 @!p2 s9, $0x8;
	s15 =	sadd.s32 @p0 s6, s8;
	_ =	swait.ge [sflag:s29], $0x4000  }
.Ltmp0:
0x61: {  	s8 =	simm.s32 @!p2 $0x6;
	[sflag:s29] =	ssyncset.done $0x0;
	(pc) =	sbr.rel @p1 .LBB2_2-.Ltmp0, $4  }
0x62: {  	s9 =	sshll.u32 @!p2 s9, $0xA;
	[sflag:s29] =	ssyncadd.s32 $0xFFFFC000  }
0x63: {  	[tilespmem:s23], [sflag:$0x2] =	stream.indirect.gather [hbm4b:s5+s21], $0x80, s0, s21, $0xb8;
	[tilespmem:$0x1F000] =	vst v63  }
0x64: {  	s16 =	simm.s32 @p0 $0x2C00;
	s9 =	sadd.s32 @!p2 s9, s10;
	_ =	swait.ge @p0 [sflag:s11], $0x400  }
0x65: {  	s17 =	simm.s32 @p0 $0x0;
	s19 =	sshrl.u32 @!p2 s9, $0x3;
	[sflag:s11] =	ssyncset.done @p0 $0x0  }
0x66: {  	[sflag:s11] =	ssyncadd.s32 @p0 $0xFFFFFC00  }
0x67: {  	[tilespmem:s16], [sflag:$0x6] =	stream.linear.gather @p0 [hbm4b:s15+s17], $0x400, $0x38;
	[tilespmem:$0x1F000] =	vst v63  }
0x68: {  	_ =	swait.ge @!p2 [sflag:s8], $0x400  }
0x69: {  	s0 =	simm.s32 @!p2 $0x2800;
	[sflag:s8] =	ssyncset.done @!p2 $0x0  }
0x6a: {  	s7 =	sadd.s32 @!p2 s6, s19;
	s9 =	simm.s32 @!p2 $0x0;
	[sflag:s8] =	ssyncadd.s32 @!p2 $0xFFFFFC00  }
0x6b: {  	[tilespmem:s0], [sflag:$0x5] =	stream.linear.gather @!p2 [hbm4b:s7+s9], $0x400, $0x38;
	[tilespmem:$0x1F000] =	vst v63  }
0x6c: {  	_ =	swait.ge [sflag:s25], $0x4000  }
0x6d: {  	s19 =	sand.u32 $0x700, s30;
	[sflag:s25] =	ssyncset.done $0x0  }
0x6e: {  	s0 =	sor.u32 $0x2800, s19;
	[sflag:s25] =	ssyncadd.s32 $0xFFFFC000  }
0x6f: {  	[spmem:s3] =	stream.indirect.scatter.add.f32 [tilespmem:s22], [sflag:$0x3], $0x80, s0, s21, $0xb8;
	[tilespmem:$0x1F000] =	vst v63  }
0x70: {  	_ =	swait.ge [sflag:s28], $0x4000  }
0x71: {  	[sflag:s28] =	ssyncset.done $0x0  }
0x72: {  	[sflag:s28] =	ssyncadd.s32 $0xFFFFC000  }
0x73: {  	_ =	swait.ge [sflag:s26], $0x4000  }
0x74: {  	[sflag:s26] =	ssyncset.done $0x0  }
0x75: {  	s20 =	simm.s32 $0x2F80;
	[sflag:s26] =	ssyncadd.s32 $0xFFFFC000  }
0x76: {  	[spmem:s3] =	stream.indirect.scatter.add.f32 [tilespmem:s23], [sflag:$0x4], $0x80, s20, s21, $0xb8;
	[tilespmem:$0x1F000] =	vst v63  }
0x77: {  	_ =	swait.ge [sflag:s29], $0x4000  }
0x78: {  	[sflag:s29] =	ssyncset.done $0x0  }
0x79: {  	[sflag:s29] =	ssyncadd.s32 $0xFFFFC000  }
0x7a: {  	_ =	swait.ge [sflag:s31], $0x400  }
0x7b: {  	[sflag:s31] =	ssyncset.done $0x0  }
0x7c: {  	[sflag:s31] =	ssyncadd.s32 $0xFFFFFC00  }
0x7d: {  	[bflag:$0x0] =	sbarrier.arrive $0xFFFF  }
0x7e: {  	[hbm:s24], [sflag:s13] =	dma.local [spmem:s14], $0x2800  }
0x7f: {  	_ =	swait.ge [sflag:s12], $0x2800  }
0x80: {  	s1 =	sadd.s32 $0x1, s1;
	s30 =	rddreg [dreg:$0x7]  }
0x81: {  	p0 =	sne.s32 s1, s30  }
.Ltmp1:
0x82: {  	_ = 	snop;
	(pc) =	sbr.rel @p0 .LBB2_1-.Ltmp1, $3  }
0x83: {  	_ =	sdelay $0x1  }
0x84: {  	[sflag:s12] =	ssyncset.done $0x0  }
0x85: {  	[sflag:s12] =	ssyncadd.s32 $0xFFFFD800  }
0x86: {  	_ =	sfence.sel $0x180000  }
0x87: {  	[bflag:$0x0] =	sbarrier.arrive $0xFFFF  }
0x88: {  	_ =	strace $0x9000004A  }
0x89: {  	s0 =	stileid.u32;
	[bflag:$0x2] =	sbarrier.arrive $0xFFFF  }
0x8a: {  	p0 =	sne.s32 s0, $0x0;
	s0 =	rddreg [dreg:$0x3]  }
0x8b: {  	s0 =	sadd.s32 @!p0 $0x100000, s0  }
0x8c: {  	[sflag:s0] =	ssyncadd.tile.s32 @!p0 $0x1;
	_ =	shalt  }
.Lfunc_end2:
_tile_overlayer_lowered:
.L_overlay_start_2:
0x8d: {  	(tag) =	ssettag $0x2  }
0x8e: {  	s0 =	rddreg [dreg:$0x0];
	s2 =	stileid.u32  }
0x8f: {  	s1 =	rddreg [dreg:$0x1];
	p0 =	sne.s32 s2, $0x0  }
0x90: {  	s3 =	rddreg [dreg:$0x2];
	[bflag:$0x3] =	sbarrier.arrive $0xFFFF;
	s2 =	simm.s32 @!p0 $0x1C07  }
0x91: {  	[timem:s3], [sflag:s2] =	dma.local @!p0 [hbm:s0], s1  }
0x92: {  	s0 =	simm.s32 @!p0 $0x7  }
0x93: {  	_ =	swait.ge @!p0 [sflag:s0], s1  }
0x94: {  	s1 =	ssub.s32 @!p0 $0x0, s1;
	[sflag:s0] =	ssyncset.done @!p0 $0x0  }
0x95: {  	[sflag:s0] =	ssyncadd.s32 @!p0 s1  }
0x96: {  	[bflag:$0x3] =	sbarrier.arrive $0xFFFF  }
0x97: {  	_ =	shalt  }

</sc_bundles>
